<compile_context>
chip_gen: v7x
topology: tpu7x:2x2x1
jax: 0.10.2.dev20260603
libtpu: 0.0.44.dev20260713+nightly
codegen_flags: <defaults>
</compile_context>

<pallas_src>
import functools
import math

import jax
import jax.numpy as jnp
from jax.experimental import pallas as pl
from jax.experimental.pallas import tpu as pltpu
from jax.experimental.pallas import tpu_sc as plsc

_CUTOFF = 5.0
_NSLICE = 4
_CH = 64
_NSUB = 16
_NCORE = 2


def _node_prep_kernel(q_ref, mu_ref, w1t_ref, b1_ref, w2t_ref, b2_ref,
                      nodes_ref, base_ref):
    x1 = jnp.dot(q_ref[...], w1t_ref[...], preferred_element_type=jnp.float32)
    x1 = x1 + b1_ref[...]
    x1 = x1 * jax.nn.sigmoid(x1)
    x = jnp.dot(x1, w2t_ref[...], preferred_element_type=jnp.float32)
    x = x + b2_ref[...]
    nb = q_ref.shape[1]
    sl = nb // _NSLICE
    for s in range(_NSLICE):
        nodes_ref[s, :, 0 * sl:1 * sl] = x[:, 0 * nb + sl * s:0 * nb + sl * s + sl]
        nodes_ref[s, :, 1 * sl:2 * sl] = x[:, 1 * nb + sl * s:1 * nb + sl * s + sl]
        nodes_ref[s, :, 2 * sl:3 * sl] = x[:, 2 * nb + sl * s:2 * nb + sl * s + sl]
        base_ref[s, :, 0:sl] = q_ref[:, sl * s:sl * s + sl]
        for d in range(3):
            m = mu_ref[:, nb * d + sl * s:nb * d + sl * s + sl]
            nodes_ref[s, :, (3 + d) * sl:(4 + d) * sl] = m
            base_ref[s, :, sl + sl * d:2 * sl + sl * d] = m
        nodes_ref[s, :, 6 * sl:8 * sl] = jnp.zeros_like(q_ref[:, 0:2 * sl])


def _edge_prep_kernel(ew_ref, wft_ref, bf_ref, fs_ref, *, nr, nb):
    ew = ew_ref[...]
    be = ew.shape[0]
    d2 = jnp.sum(ew * ew, axis=1, keepdims=True)
    dist = jnp.sqrt(d2)
    inv = 1.0 / dist
    dirs = ew * inv
    n = jax.lax.broadcasted_iota(jnp.int32, (be, nr), 1).astype(jnp.float32) + 1.0
    basis = jnp.sin(dist * n * (math.pi / _CUTOFF)) * inv
    cut = jnp.where(dist < _CUTOFF,
                    0.5 * (jnp.cos(dist * (math.pi / _CUTOFF)) + 1.0), 0.0)
    filt = jnp.dot(basis, wft_ref[...], preferred_element_type=jnp.float32)
    filt = (filt + bf_ref[...]) * cut
    sl = nb // _NSLICE
    for s in range(_NSLICE):
        fs_ref[s, :, 0:sl] = filt[:, sl * s:sl * s + sl]
        fR = filt[:, nb + sl * s:nb + sl * s + sl]
        for d in range(3):
            fs_ref[s, :, sl + sl * d:2 * sl + sl * d] = fR * dirs[:, d:d + 1]
        fs_ref[s, :, 4 * sl:5 * sl] = filt[:, 2 * nb + sl * s:2 * nb + sl * s + sl]


def _sc_kernel(nodes_hbm, fs_hbm, base_hbm, ij_hbm,
               out_hbm, accum, fb, gb, ub, ijb, sb, jb2,
               *, n_nodes, n_edges, sl):
    core = jax.lax.axis_index("c")
    sub = jax.lax.axis_index("s")
    rpt = (n_nodes // _NSUB) & ~7
    tail = n_nodes - rpt * _NSUB
    n_chunks = n_edges // _CH
    cpt = -(-n_chunks // _NSUB)
    for s_local in range(_NSLICE // _NCORE):
        sidx = core * (_NSLICE // _NCORE) + s_local
        pltpu.sync_copy(base_hbm.at[sidx, pl.ds(sub * rpt, rpt)],
                        accum.at[pl.ds(sub * rpt, rpt)])
        if tail:
            @pl.when(sub == _NSUB - 1)
            def _init_tail():
                pltpu.sync_copy(base_hbm.at[sidx, pl.ds(rpt * _NSUB, tail)],
                                accum.at[pl.ds(rpt * _NSUB, tail)])
        plsc.subcore_barrier()
        joff = sidx * n_nodes

        @pl.loop(0, cpt)
        def _chunk(k):
            chunk = k * _NSUB + sub

            @pl.when(chunk < n_chunks)
            def _do_chunk():
                e0 = chunk * _CH
                pltpu.sync_copy(ij_hbm.at[chunk], ijb)
                pltpu.sync_copy(fs_hbm.at[sidx, pl.ds(e0, _CH)], fb)

                @pl.loop(0, _CH, step=16)
                def _adj(c):
                    sb[0, pl.ds(c, 16)] = ijb[0, pl.ds(c, 16)]
                    jb2[0, pl.ds(c, 16)] = ijb[1, pl.ds(c, 16)] + joff

                pltpu.sync_copy(nodes_hbm.at[jb2.at[0]], gb)

                @pl.loop(0, _CH)
                def _edge(e):
                    for c in range(0, sl, 16):
                        xq = gb[e, pl.ds(c, 16)]
                        xR = gb[e, pl.ds(sl + c, 16)]
                        xM = gb[e, pl.ds(2 * sl + c, 16)]
                        ub[e, pl.ds(c, 16)] = fb[e, pl.ds(c, 16)] * xq
                        dM = fb[e, pl.ds(4 * sl + c, 16)] * xM
                        for d in range(3):
                            fRd = fb[e, pl.ds(sl + sl * d + c, 16)]
                            mv = gb[e, pl.ds(3 * sl + sl * d + c, 16)]
                            ub[e, pl.ds(sl + sl * d + c, 16)] = fRd * xR + dM * mv

                pltpu.sync_copy(ub, accum.at[sb.at[0]], add=True)

        plsc.subcore_barrier()
        pltpu.sync_copy(accum.at[pl.ds(sub * rpt, rpt)],
                        out_hbm.at[sidx, pl.ds(sub * rpt, rpt)])
        if tail:
            @pl.when(sub == _NSUB - 1)
            def _out_tail():
                pltpu.sync_copy(accum.at[pl.ds(rpt * _NSUB, tail)],
                                out_hbm.at[sidx, pl.ds(rpt * _NSUB, tail)])
        plsc.subcore_barrier()


def kernel(q, mu, edge_index, edge_weight, W1, b1, W2, b2, Wf, bf):
    n, nb = q.shape
    e = edge_index.shape[1]
    nr = Wf.shape[1]
    sl = nb // _NSLICE
    bn = 400
    be = 2000

    mu2 = mu.reshape(n, 3 * nb)
    nodes, base = pl.pallas_call(
        _node_prep_kernel,
        grid=(n // bn,),
        in_specs=[
            pl.BlockSpec((bn, nb), lambda i: (i, 0)),
            pl.BlockSpec((bn, 3 * nb), lambda i: (i, 0)),
            pl.BlockSpec((nb, nb), lambda i: (0, 0)),
            pl.BlockSpec((1, nb), lambda i: (0, 0)),
            pl.BlockSpec((nb, 3 * nb), lambda i: (0, 0)),
            pl.BlockSpec((1, 3 * nb), lambda i: (0, 0)),
        ],
        out_specs=[
            pl.BlockSpec((_NSLICE, bn, 8 * sl), lambda i: (0, i, 0)),
            pl.BlockSpec((_NSLICE, bn, nb), lambda i: (0, i, 0)),
        ],
        out_shape=[
            jax.ShapeDtypeStruct((_NSLICE, n, 8 * sl), jnp.float32),
            jax.ShapeDtypeStruct((_NSLICE, n, nb), jnp.float32),
        ],
    )(q, mu2, W1.T, b1.reshape(1, nb), W2.T, b2.reshape(1, 3 * nb))

    fs = pl.pallas_call(
        functools.partial(_edge_prep_kernel, nr=nr, nb=nb),
        grid=(e // be,),
        in_specs=[
            pl.BlockSpec((be, 3), lambda i: (i, 0)),
            pl.BlockSpec((nr, 3 * nb), lambda i: (0, 0)),
            pl.BlockSpec((1, 3 * nb), lambda i: (0, 0)),
        ],
        out_specs=pl.BlockSpec((_NSLICE, be, 5 * sl), lambda i: (0, i, 0)),
        out_shape=jax.ShapeDtypeStruct((_NSLICE, e, 5 * sl), jnp.float32),
    )(edge_weight, Wf.T, bf.reshape(1, 3 * nb))

    nodes_flat = nodes.reshape(_NSLICE * n, 8 * sl)
    ij = jnp.stack([edge_index[0].reshape(e // _CH, _CH),
                    edge_index[1].reshape(e // _CH, _CH)], axis=1)

    sc = pl.kernel(
        functools.partial(_sc_kernel, n_nodes=n, n_edges=e, sl=sl),
        out_type=jax.ShapeDtypeStruct((_NSLICE, n, nb), jnp.float32),
        mesh=plsc.VectorSubcoreMesh(core_axis_name="c", subcore_axis_name="s"),
        scratch_types=[
            pltpu.VMEM_SHARED((n, nb), jnp.float32),
            pltpu.VMEM((_CH, 5 * sl), jnp.float32),
            pltpu.VMEM((_CH, 8 * sl), jnp.float32),
            pltpu.VMEM((_CH, nb), jnp.float32),
            pltpu.VMEM((2, _CH), jnp.int32),
            pltpu.VMEM((1, _CH), jnp.int32),
            pltpu.VMEM((1, _CH), jnp.int32),
        ],
    )
    out = sc(nodes_flat, fs, base, ij)

    q_out = jnp.concatenate([out[s, :, 0:sl] for s in range(_NSLICE)], axis=1)
    mu_out = jnp.stack(
        [jnp.concatenate([out[s, :, sl + sl * d:2 * sl + sl * d]
                          for s in range(_NSLICE)], axis=1)
         for d in range(3)], axis=1)
    return (q_out, mu_out)

# --- scband reference (transcript-rebuilt; emitter-appended) ---
"""Pipeline reference for scband-message-layer-87960930222860 (READ-ONLY COPY).

The authoritative reference and input builder live on the scoring server;
editing this copy changes nothing except your own understanding.
"""

import jax, jax.numpy as jnp
import numpy as np

N = 10000
E = 320000
NB = 128
NR = 20
CUTOFF = 5.0


def setup_inputs(seed: int = 0) -> dict:
    key = jax.random.key(seed)
    ks = jax.random.split(key, 12)
    q = jax.random.normal(ks[0], (N, NB), dtype=jnp.float32)
    mu = jax.random.normal(ks[1], (N, 3, NB), dtype=jnp.float32)
    edge_index = jax.random.randint(ks[2], (2, E), 0, N)
    edge_weight = jax.random.normal(ks[3], (E, 3), dtype=jnp.float32)
    # interaction_context_network: Linear(NB, NB) -> SiLU -> Linear(NB, 3*NB)
    W1 = jax.random.normal(ks[4], (NB, NB), dtype=jnp.float32) * 0.05
    b1 = jax.random.normal(ks[5], (NB,), dtype=jnp.float32) * 0.05
    W2 = jax.random.normal(ks[6], (3 * NB, NB), dtype=jnp.float32) * 0.05
    b2 = jax.random.normal(ks[7], (3 * NB,), dtype=jnp.float32) * 0.05
    # filter_network: Linear(NR, 3*NB)
    Wf = jax.random.normal(ks[8], (3 * NB, NR), dtype=jnp.float32) * 0.05
    bf = jax.random.normal(ks[9], (3 * NB,), dtype=jnp.float32) * 0.05
    return {"q": q, "mu": mu, "edge_index": edge_index, "edge_weight": edge_weight,
            "W1": W1, "b1": b1, "W2": W2, "b2": b2, "Wf": Wf, "bf": bf}


def reference(q, mu, edge_index, edge_weight, W1, b1, W2, b2, Wf, bf):
    # interaction context network
    x = q @ W1.T + b1
    x = x * jax.nn.sigmoid(x)  # SiLU
    x = x @ W2.T + b2
    # edge geometry
    distances = jnp.linalg.norm(edge_weight, axis=-1)
    directions = edge_weight / distances[:, None]
    # sinc expansion
    n = jnp.arange(NR, dtype=jnp.float32) + 1.0
    basis_fn = jnp.sin(distances[:, None] * n * jnp.pi / CUTOFF) / distances[:, None]
    # cosine cutoff
    cut = jnp.where(distances < CUTOFF, 0.5 * (jnp.cos(jnp.pi * distances / CUTOFF) + 1.0), 0.0)[:, None]
    filter_Wij = (basis_fn @ Wf.T + bf) * cut
    idx_i = edge_index[0]
    idx_j = edge_index[1]
    xj = jnp.take(x, idx_j, axis=0)
    muj = jnp.take(mu, idx_j, axis=0)
    xe = filter_Wij * xj
    dq, dmuR, dmumu = jnp.split(xe, 3, axis=-1)
    q_update = jnp.zeros_like(q).at[idx_i].add(dq)
    dmu = dmuR[:, None, :] * directions[..., None] + dmumu[:, None, :] * muj
    mu_update = jnp.zeros_like(mu).at[idx_i].add(dmu)
    q_out = q + q_update
    mu_out = mu + mu_update
    return (q_out, mu_out)

if __name__ == "__main__":
    import jax
    _d = setup_inputs()
    print(jax.jit(kernel)(*tuple(_d.values())))

</pallas_src>

<mosaic_0001>
#map = affine_map<(d0, d1) -> (0, 0)>
#map1 = affine_map<(d0, d1) -> (0, 0, 0)>
module attributes {stable_mosaic.version = 14 : i64} {
  func.func @_sc_kernel(%arg0: i32, %arg1: i32, %arg2: memref<40000x256xf32, #tpu.memory_space<hbm>>, %arg3: memref<4x320000x160xf32, #tpu.memory_space<hbm>>, %arg4: memref<4x10000x128xf32, #tpu.memory_space<hbm>>, %arg5: memref<5000x2x64xi32, #tpu.memory_space<hbm>>, %arg6: memref<4x10000x128xf32, #tpu.memory_space<hbm>>, %arg7: memref<10000x128xf32, #tpu.memory_space<vmem_shared>>, %arg8: memref<64x160xf32, #tpu.memory_space<vmem>>, %arg9: memref<64x256xf32, #tpu.memory_space<vmem>>, %arg10: memref<64x128xf32, #tpu.memory_space<vmem>>, %arg11: memref<2x64xi32, #tpu.memory_space<vmem>>, %arg12: memref<1x64xi32, #tpu.memory_space<vmem>>, %arg13: memref<1x64xi32, #tpu.memory_space<vmem>>) attributes {dimension_semantics = [#tpu.dimension_semantics<core_parallel>, #tpu.dimension_semantics<subcore_parallel>], iteration_bounds = array<i64: 2, 16>, scalar_prefetch = 0 : i64, scratch_operands = 7 : i64, tpu.core_type = #tpu.core_type<sc_vector_subcore>, window_params = [{transform_indices = #map}, {transform_indices = #map1}, {transform_indices = #map1}, {transform_indices = #map1}, {transform_indices = #map1}]} {
    %mul3A = arith.constant 2 : i32
    %mul3A_0 = arith.muli %arg0, %mul3A : i32
    %add3A = arith.constant 0 : i32
    %add3A_1 = arith.addi %mul3A_0, %add3A : i32
    %mul3A_2 = arith.constant 624 : i32
    %mul3A_3 = arith.muli %arg1, %mul3A_2 : i32
    %mul3A_4 = arith.constant 624 : i32
    %mul3A_5 = arith.muli %arg1, %mul3A_4 : i32
    "tpu.region"() ({
      %run_scoped3A = tpu.sem_alloc : memref<!tpu.dma_semaphore, #tpu.memory_space<semaphore_mem>>
      %dma_start3A = arith.constant 0 : i32
      %dma_start3A_57 = tpu.memref_slice %arg7[%mul3A_5, %dma_start3A] : memref<10000x128xf32, #tpu.memory_space<vmem_shared>> -> memref<624x128xf32, #tpu.memory_space<vmem_shared>>
      %dma_start3A_58 = arith.constant 0 : i32
      %dma_start3A_59 = tpu.memref_slice %arg4[%add3A_1, %mul3A_3, %dma_start3A_58] : memref<4x10000x128xf32, #tpu.memory_space<hbm>> -> memref<1x624x128xf32, #tpu.memory_space<hbm>>
      %dma_start3A_60 = tpu.memref_squeeze %dma_start3A_59 : memref<1x624x128xf32, #tpu.memory_space<hbm>> -> memref<624x128xf32, #tpu.memory_space<hbm>>
      tpu.enqueue_dma source(%dma_start3A_60 : memref<624x128xf32, #tpu.memory_space<hbm>>) target(%dma_start3A_57 : memref<624x128xf32, #tpu.memory_space<vmem_shared>>) target_semaphore(%run_scoped3A : memref<!tpu.dma_semaphore, #tpu.memory_space<semaphore_mem>>)
      %dma_wait3A = arith.constant 0 : i32
      %dma_wait3A_61 = tpu.memref_slice %arg7[%mul3A_5, %dma_wait3A] : memref<10000x128xf32, #tpu.memory_space<vmem_shared>> -> memref<624x128xf32, #tpu.memory_space<vmem_shared>>
      %dma_wait3A_62 = arith.constant 0 : i32
      %dma_wait3A_63 = tpu.memref_slice %arg4[%add3A_1, %mul3A_3, %dma_wait3A_62] : memref<4x10000x128xf32, #tpu.memory_space<hbm>> -> memref<1x624x128xf32, #tpu.memory_space<hbm>>
      %dma_wait3A_64 = tpu.memref_squeeze %dma_wait3A_63 : memref<1x624x128xf32, #tpu.memory_space<hbm>> -> memref<624x128xf32, #tpu.memory_space<hbm>>
      tpu.wait_dma2 semaphore(%run_scoped3A : memref<!tpu.dma_semaphore, #tpu.memory_space<semaphore_mem>>) src(%dma_wait3A_64 : memref<624x128xf32, #tpu.memory_space<hbm>>) dst(%dma_wait3A_61 : memref<624x128xf32, #tpu.memory_space<vmem_shared>>)
      tpu.yield
    }) : () -> ()
    %eq3A = arith.constant 15 : i32
    %eq3A_6 = arith.cmpi eq, %arg1, %eq3A : i32
    %convert_element_type3A = arith.extui %eq3A_6 : i1 to i32
    %cond3A = arith.constant 0 : i32
    %cond3A_7 = arith.cmpi ne, %convert_element_type3A, %cond3A : i32
    scf.if %cond3A_7 {
      "tpu.region"() ({
        %run_scoped3A = tpu.sem_alloc : memref<!tpu.dma_semaphore, #tpu.memory_space<semaphore_mem>>
        %dma_start3A = arith.constant 9984 : i32
        %dma_start3A_57 = arith.constant 0 : i32
        %dma_start3A_58 = tpu.memref_slice %arg7[%dma_start3A, %dma_start3A_57] : memref<10000x128xf32, #tpu.memory_space<vmem_shared>> -> memref<16x128xf32, #tpu.memory_space<vmem_shared>>
        %dma_start3A_59 = arith.constant 9984 : i32
        %dma_start3A_60 = arith.constant 0 : i32
        %dma_start3A_61 = tpu.memref_slice %arg4[%add3A_1, %dma_start3A_59, %dma_start3A_60] : memref<4x10000x128xf32, #tpu.memory_space<hbm>> -> memref<1x16x128xf32, #tpu.memory_space<hbm>>
        %dma_start3A_62 = tpu.memref_squeeze %dma_start3A_61 : memref<1x16x128xf32, #tpu.memory_space<hbm>> -> memref<16x128xf32, #tpu.memory_space<hbm>>
        tpu.enqueue_dma source(%dma_start3A_62 : memref<16x128xf32, #tpu.memory_space<hbm>>) target(%dma_start3A_58 : memref<16x128xf32, #tpu.memory_space<vmem_shared>>) target_semaphore(%run_scoped3A : memref<!tpu.dma_semaphore, #tpu.memory_space<semaphore_mem>>)
        %dma_wait3A = arith.constant 9984 : i32
        %dma_wait3A_63 = arith.constant 0 : i32
        %dma_wait3A_64 = tpu.memref_slice %arg7[%dma_wait3A, %dma_wait3A_63] : memref<10000x128xf32, #tpu.memory_space<vmem_shared>> -> memref<16x128xf32, #tpu.memory_space<vmem_shared>>
        %dma_wait3A_65 = arith.constant 9984 : i32
        %dma_wait3A_66 = arith.constant 0 : i32
        %dma_wait3A_67 = tpu.memref_slice %arg4[%add3A_1, %dma_wait3A_65, %dma_wait3A_66] : memref<4x10000x128xf32, #tpu.memory_space<hbm>> -> memref<1x16x128xf32, #tpu.memory_space<hbm>>
        %dma_wait3A_68 = tpu.memref_squeeze %dma_wait3A_67 : memref<1x16x128xf32, #tpu.memory_space<hbm>> -> memref<16x128xf32, #tpu.memory_space<hbm>>
        tpu.wait_dma2 semaphore(%run_scoped3A : memref<!tpu.dma_semaphore, #tpu.memory_space<semaphore_mem>>) src(%dma_wait3A_68 : memref<16x128xf32, #tpu.memory_space<hbm>>) dst(%dma_wait3A_64 : memref<16x128xf32, #tpu.memory_space<vmem_shared>>)
        tpu.yield
      }) : () -> ()
    } else {
    }
    %barrier3A = arith.constant 0 : index
    tpu.barrier barrier_id(%barrier3A)
    %mul3A_8 = arith.constant 10000 : i32
    %mul3A_9 = arith.muli %add3A_1, %mul3A_8 : i32
    %scan3A = arith.constant 0 : i32
    %scan3A_10 = arith.constant 313 : i32
    %scan3A_11 = arith.addi %scan3A, %scan3A_10 : i32
    %scan3A_12 = arith.constant 1 : i32
    scf.for %scan3A_57 = %scan3A to %scan3A_11 step %scan3A_12  : i32 {
      %mul3A_58 = arith.constant 1 : i32
      %mul3A_59 = arith.muli %scan3A_57, %mul3A_58 : i32
      %add3A_60 = arith.constant 0 : i32
      %add3A_61 = arith.addi %add3A_60, %mul3A_59 : i32
      %mul3A_62 = arith.constant 16 : i32
      %mul3A_63 = arith.muli %add3A_61, %mul3A_62 : i32
      %add3A_64 = arith.addi %mul3A_63, %arg1 : i32
      %lt3A = arith.constant 5000 : i32
      %lt3A_65 = arith.cmpi slt, %add3A_64, %lt3A : i32
      %convert_element_type3A_66 = arith.extui %lt3A_65 : i1 to i32
      %cond3A_67 = arith.constant 0 : i32
      %cond3A_68 = arith.cmpi ne, %convert_element_type3A_66, %cond3A_67 : i32
      scf.if %cond3A_68 {
        %mul3A_69 = arith.constant 64 : i32
        %mul3A_70 = arith.muli %add3A_64, %mul3A_69 : i32
        "tpu.region"() ({
          %run_scoped3A_82 = tpu.sem_alloc : memref<!tpu.dma_semaphore, #tpu.memory_space<semaphore_mem>>
          %dma_start3A = arith.constant 0 : i32
          %dma_start3A_83 = arith.constant 0 : i32
          %dma_start3A_84 = tpu.memref_slice %arg5[%add3A_64, %dma_start3A, %dma_start3A_83] : memref<5000x2x64xi32, #tpu.memory_space<hbm>> -> memref<1x2x64xi32, #tpu.memory_space<hbm>>
          %dma_start3A_85 = tpu.memref_squeeze %dma_start3A_84 : memref<1x2x64xi32, #tpu.memory_space<hbm>> -> memref<2x64xi32, #tpu.memory_space<hbm>>
          %dma_start3A_86 = arith.constant 0 : i32
          %dma_start3A_87 = arith.constant 0 : i32
          %dma_start3A_88 = tpu.memref_slice %arg5[%add3A_64, %dma_start3A_86, %dma_start3A_87] : memref<5000x2x64xi32, #tpu.memory_space<hbm>> -> memref<1x2x64xi32, #tpu.memory_space<hbm>>
          %dma_start3A_89 = tpu.memref_squeeze %dma_start3A_88 : memref<1x2x64xi32, #tpu.memory_space<hbm>> -> memref<2x64xi32, #tpu.memory_space<hbm>>
          tpu.enqueue_dma source(%dma_start3A_89 : memref<2x64xi32, #tpu.memory_space<hbm>>) target(%arg11 : memref<2x64xi32, #tpu.memory_space<vmem>>) target_semaphore(%run_scoped3A_82 : memref<!tpu.dma_semaphore, #tpu.memory_space<semaphore_mem>>)
          %dma_wait3A = arith.constant 0 : i32
          %dma_wait3A_90 = arith.constant 0 : i32
          %dma_wait3A_91 = tpu.memref_slice %arg5[%add3A_64, %dma_wait3A, %dma_wait3A_90] : memref<5000x2x64xi32, #tpu.memory_space<hbm>> -> memref<1x2x64xi32, #tpu.memory_space<hbm>>
          %dma_wait3A_92 = tpu.memref_squeeze %dma_wait3A_91 : memref<1x2x64xi32, #tpu.memory_space<hbm>> -> memref<2x64xi32, #tpu.memory_space<hbm>>
          %dma_wait3A_93 = arith.constant 0 : i32
          %dma_wait3A_94 = arith.constant 0 : i32
          %dma_wait3A_95 = tpu.memref_slice %arg5[%add3A_64, %dma_wait3A_93, %dma_wait3A_94] : memref<5000x2x64xi32, #tpu.memory_space<hbm>> -> memref<1x2x64xi32, #tpu.memory_space<hbm>>
          %dma_wait3A_96 = tpu.memref_squeeze %dma_wait3A_95 : memref<1x2x64xi32, #tpu.memory_space<hbm>> -> memref<2x64xi32, #tpu.memory_space<hbm>>
          tpu.wait_dma2 semaphore(%run_scoped3A_82 : memref<!tpu.dma_semaphore, #tpu.memory_space<semaphore_mem>>) src(%dma_wait3A_96 : memref<2x64xi32, #tpu.memory_space<hbm>>) dst(%arg11 : memref<2x64xi32, #tpu.memory_space<vmem>>)
          tpu.yield
        }) : () -> ()
        "tpu.region"() ({
          %run_scoped3A_82 = tpu.sem_alloc : memref<!tpu.dma_semaphore, #tpu.memory_space<semaphore_mem>>
          %dma_start3A = arith.constant 0 : i32
          %dma_start3A_83 = tpu.memref_slice %arg3[%add3A_1, %mul3A_70, %dma_start3A] : memref<4x320000x160xf32, #tpu.memory_space<hbm>> -> memref<1x64x160xf32, #tpu.memory_space<hbm>>
          %dma_start3A_84 = tpu.memref_squeeze %dma_start3A_83 : memref<1x64x160xf32, #tpu.memory_space<hbm>> -> memref<64x160xf32, #tpu.memory_space<hbm>>
          %dma_start3A_85 = arith.constant 0 : i32
          %dma_start3A_86 = tpu.memref_slice %arg3[%add3A_1, %mul3A_70, %dma_start3A_85] : memref<4x320000x160xf32, #tpu.memory_space<hbm>> -> memref<1x64x160xf32, #tpu.memory_space<hbm>>
          %dma_start3A_87 = tpu.memref_squeeze %dma_start3A_86 : memref<1x64x160xf32, #tpu.memory_space<hbm>> -> memref<64x160xf32, #tpu.memory_space<hbm>>
          tpu.enqueue_dma source(%dma_start3A_87 : memref<64x160xf32, #tpu.memory_space<hbm>>) target(%arg8 : memref<64x160xf32, #tpu.memory_space<vmem>>) target_semaphore(%run_scoped3A_82 : memref<!tpu.dma_semaphore, #tpu.memory_space<semaphore_mem>>)
          %dma_wait3A = arith.constant 0 : i32
          %dma_wait3A_88 = tpu.memref_slice %arg3[%add3A_1, %mul3A_70, %dma_wait3A] : memref<4x320000x160xf32, #tpu.memory_space<hbm>> -> memref<1x64x160xf32, #tpu.memory_space<hbm>>
          %dma_wait3A_89 = tpu.memref_squeeze %dma_wait3A_88 : memref<1x64x160xf32, #tpu.memory_space<hbm>> -> memref<64x160xf32, #tpu.memory_space<hbm>>
          %dma_wait3A_90 = arith.constant 0 : i32
          %dma_wait3A_91 = tpu.memref_slice %arg3[%add3A_1, %mul3A_70, %dma_wait3A_90] : memref<4x320000x160xf32, #tpu.memory_space<hbm>> -> memref<1x64x160xf32, #tpu.memory_space<hbm>>
          %dma_wait3A_92 = tpu.memref_squeeze %dma_wait3A_91 : memref<1x64x160xf32, #tpu.memory_space<hbm>> -> memref<64x160xf32, #tpu.memory_space<hbm>>
          tpu.wait_dma2 semaphore(%run_scoped3A_82 : memref<!tpu.dma_semaphore, #tpu.memory_space<semaphore_mem>>) src(%dma_wait3A_92 : memref<64x160xf32, #tpu.memory_space<hbm>>) dst(%arg8 : memref<64x160xf32, #tpu.memory_space<vmem>>)
          tpu.yield
        }) : () -> ()
        %scan3A_71 = arith.constant 0 : i32
        %scan3A_72 = arith.constant 4 : i32
        %scan3A_73 = arith.addi %scan3A_71, %scan3A_72 : i32
        %scan3A_74 = arith.constant 1 : i32
        scf.for %scan3A_82 = %scan3A_71 to %scan3A_73 step %scan3A_74  : i32 {
          %mul3A_83 = arith.constant 16 : i32
          %mul3A_84 = arith.muli %scan3A_82, %mul3A_83 : i32
          %add3A_85 = arith.constant 0 : i32
          %add3A_86 = arith.addi %add3A_85, %mul3A_84 : i32
          %get3A = arith.constant 0 : i32
          %get3A_87 = arith.index_cast %get3A : i32 to index
          %get3A_88 = arith.index_cast %add3A_86 : i32 to index
          %get3A_89 = tpu.vector_load %arg11[%get3A_87, %get3A_88] {strides = array<i32>} : memref<2x64xi32, #tpu.memory_space<vmem>>, vector<1x16xi32>,
          %get3A_90 = vector.shape_cast %get3A_89 : vector<1x16xi32> to vector<16xi32>
          %swap3A = arith.constant 0 : i32
          %swap3A_91 = arith.index_cast %swap3A : i32 to index
          %swap3A_92 = arith.index_cast %add3A_86 : i32 to index
          %swap3A_93 = tpu.vector_load %arg12[%swap3A_91, %swap3A_92] {strides = array<i32>} : memref<1x64xi32, #tpu.memory_space<vmem>>, vector<1x16xi32>,
          %swap3A_94 = vector.shape_cast %swap3A_93 : vector<1x16xi32> to vector<16xi32>
          %swap3A_95 = vector.shape_cast %get3A_90 : vector<16xi32> to vector<1x16xi32>
          tpu.vector_store %arg12[%swap3A_91, %swap3A_92], %swap3A_95 {strides = array<i32>} : memref<1x64xi32, #tpu.memory_space<vmem>>, vector<1x16xi32>,
          %get3A_96 = arith.constant 1 : i32
          %get3A_97 = arith.index_cast %get3A_96 : i32 to index
          %get3A_98 = arith.index_cast %add3A_86 : i32 to index
          %get3A_99 = tpu.vector_load %arg11[%get3A_97, %get3A_98] {strides = array<i32>} : memref<2x64xi32, #tpu.memory_space<vmem>>, vector<1x16xi32>,
          %get3A_100 = vector.shape_cast %get3A_99 : vector<1x16xi32> to vector<16xi32>
          %add3A_101 = vector.broadcast %mul3A_9 : i32 to vector<16xi32>
          %add3A_102 = arith.addi %get3A_100, %add3A_101 : vector<16xi32>
          %swap3A_103 = arith.constant 0 : i32
          %swap3A_104 = arith.index_cast %swap3A_103 : i32 to index
          %swap3A_105 = arith.index_cast %add3A_86 : i32 to index
          %swap3A_106 = tpu.vector_load %arg13[%swap3A_104, %swap3A_105] {strides = array<i32>} : memref<1x64xi32, #tpu.memory_space<vmem>>, vector<1x16xi32>,
          %swap3A_107 = vector.shape_cast %swap3A_106 : vector<1x16xi32> to vector<16xi32>
          %swap3A_108 = vector.shape_cast %add3A_102 : vector<16xi32> to vector<1x16xi32>
          tpu.vector_store %arg13[%swap3A_104, %swap3A_105], %swap3A_108 {strides = array<i32>} : memref<1x64xi32, #tpu.memory_space<vmem>>, vector<1x16xi32>,
        }
        %scan3A_75 = arith.constant 4 : i32
        %run_scoped3A = arith.constant 0 : i32
        "tpu.region"() ({
          %run_scoped3A_82 = tpu.sem_alloc : memref<!tpu.dma_semaphore, #tpu.memory_space<semaphore_mem>>
          %dma_start3A = arith.constant 0 : i32
          %dma_start3A_83 = tpu.memref_slice %arg13[%run_scoped3A, %dma_start3A] : memref<1x64xi32, #tpu.memory_space<vmem>> -> memref<1x64xi32, #tpu.memory_space<vmem>>
          %dma_start3A_84 = tpu.memref_squeeze %dma_start3A_83 : memref<1x64xi32, #tpu.memory_space<vmem>> -> memref<64xi32, #tpu.memory_space<vmem>>
          %dma_start3A_85 = arith.constant 0 : i32
          %dma_start3A_86 = arith.constant 0 : i32
          %dma_start3A_87 = tpu.memref_slice %arg2[%dma_start3A_85, %dma_start3A_86] : memref<40000x256xf32, #tpu.memory_space<hbm>> -> memref<40000x256xf32, #tpu.memory_space<hbm>>
          tpu.enqueue_indirect_dma source(%dma_start3A_87 : memref<40000x256xf32, #tpu.memory_space<hbm>>) target(%arg9 : memref<64x256xf32, #tpu.memory_space<vmem>>) offsets(%dma_start3A_84 : memref<64xi32, #tpu.memory_space<vmem>>) semaphore(%run_scoped3A_82 : memref<!tpu.dma_semaphore, #tpu.memory_space<semaphore_mem>>)
          %dma_wait3A = arith.constant 0 : i32
          %dma_wait3A_88 = tpu.memref_slice %arg13[%run_scoped3A, %dma_wait3A] : memref<1x64xi32, #tpu.memory_space<vmem>> -> memref<1x64xi32, #tpu.memory_space<vmem>>
          %dma_wait3A_89 = tpu.memref_squeeze %dma_wait3A_88 : memref<1x64xi32, #tpu.memory_space<vmem>> -> memref<64xi32, #tpu.memory_space<vmem>>
          %dma_wait3A_90 = arith.constant 0 : i32
          %dma_wait3A_91 = arith.constant 0 : i32
          %dma_wait3A_92 = tpu.memref_slice %arg2[%dma_wait3A_90, %dma_wait3A_91] : memref<40000x256xf32, #tpu.memory_space<hbm>> -> memref<40000x256xf32, #tpu.memory_space<hbm>>
          tpu.wait_indirect_dma semaphore(%run_scoped3A_82 : memref<!tpu.dma_semaphore, #tpu.memory_space<semaphore_mem>>) src(%dma_wait3A_92 : memref<40000x256xf32, #tpu.memory_space<hbm>>) dst(%arg9 : memref<64x256xf32, #tpu.memory_space<vmem>>)
          tpu.yield
        }) : () -> ()
        %scan3A_76 = arith.constant 0 : i32
        %scan3A_77 = arith.constant 64 : i32
        %scan3A_78 = arith.addi %scan3A_76, %scan3A_77 : i32
        %scan3A_79 = arith.constant 1 : i32
        scf.for %scan3A_82 = %scan3A_76 to %scan3A_78 step %scan3A_79  : i32 {
          %mul3A_83 = arith.constant 1 : i32
          %mul3A_84 = arith.muli %scan3A_82, %mul3A_83 : i32
          %add3A_85 = arith.constant 0 : i32
          %add3A_86 = arith.addi %add3A_85, %mul3A_84 : i32
          %get3A = arith.index_cast %add3A_86 : i32 to index
          %get3A_87 = arith.constant 0 : index
          %get3A_88 = tpu.vector_load %arg9[%get3A, %get3A_87] {strides = array<i32>} : memref<64x256xf32, #tpu.memory_space<vmem>>, vector<1x16xf32>,
          %get3A_89 = vector.shape_cast %get3A_88 : vector<1x16xf32> to vector<16xf32>
          %get3A_90 = arith.index_cast %add3A_86 : i32 to index
          %get3A_91 = arith.constant 32 : index
          %get3A_92 = tpu.vector_load %arg9[%get3A_90, %get3A_91] {strides = array<i32>} : memref<64x256xf32, #tpu.memory_space<vmem>>, vector<1x16xf32>,
          %get3A_93 = vector.shape_cast %get3A_92 : vector<1x16xf32> to vector<16xf32>
          %get3A_94 = arith.index_cast %add3A_86 : i32 to index
          %get3A_95 = arith.constant 64 : index
          %get3A_96 = tpu.vector_load %arg9[%get3A_94, %get3A_95] {strides = array<i32>} : memref<64x256xf32, #tpu.memory_space<vmem>>, vector<1x16xf32>,
          %get3A_97 = vector.shape_cast %get3A_96 : vector<1x16xf32> to vector<16xf32>
          %get3A_98 = arith.index_cast %add3A_86 : i32 to index
          %get3A_99 = arith.constant 0 : index
          %get3A_100 = tpu.vector_load %arg8[%get3A_98, %get3A_99] {strides = array<i32>} : memref<64x160xf32, #tpu.memory_space<vmem>>, vector<1x16xf32>,
          %get3A_101 = vector.shape_cast %get3A_100 : vector<1x16xf32> to vector<16xf32>
          %mul3A_102 = arith.mulf %get3A_101, %get3A_89 : vector<16xf32>
          %swap3A = arith.index_cast %add3A_86 : i32 to index
          %swap3A_103 = arith.constant 0 : index
          %swap3A_104 = tpu.vector_load %arg10[%swap3A, %swap3A_103] {strides = array<i32>} : memref<64x128xf32, #tpu.memory_space<vmem>>, vector<1x16xf32>,
          %swap3A_105 = vector.shape_cast %swap3A_104 : vector<1x16xf32> to vector<16xf32>
          %swap3A_106 = vector.shape_cast %mul3A_102 : vector<16xf32> to vector<1x16xf32>
          tpu.vector_store %arg10[%swap3A, %swap3A_103], %swap3A_106 {strides = array<i32>} : memref<64x128xf32, #tpu.memory_space<vmem>>, vector<1x16xf32>,
          %get3A_107 = arith.index_cast %add3A_86 : i32 to index
          %get3A_108 = arith.constant 128 : index
          %get3A_109 = tpu.vector_load %arg8[%get3A_107, %get3A_108] {strides = array<i32>} : memref<64x160xf32, #tpu.memory_space<vmem>>, vector<1x16xf32>,
          %get3A_110 = vector.shape_cast %get3A_109 : vector<1x16xf32> to vector<16xf32>
          %mul3A_111 = arith.mulf %get3A_110, %get3A_97 : vector<16xf32>
          %get3A_112 = arith.index_cast %add3A_86 : i32 to index
          %get3A_113 = arith.constant 32 : index
          %get3A_114 = tpu.vector_load %arg8[%get3A_112, %get3A_113] {strides = array<i32>} : memref<64x160xf32, #tpu.memory_space<vmem>>, vector<1x16xf32>,
          %get3A_115 = vector.shape_cast %get3A_114 : vector<1x16xf32> to vector<16xf32>
          %get3A_116 = arith.index_cast %add3A_86 : i32 to index
          %get3A_117 = arith.constant 96 : index
          %get3A_118 = tpu.vector_load %arg9[%get3A_116, %get3A_117] {strides = array<i32>} : memref<64x256xf32, #tpu.memory_space<vmem>>, vector<1x16xf32>,
          %get3A_119 = vector.shape_cast %get3A_118 : vector<1x16xf32> to vector<16xf32>
          %mul3A_120 = arith.mulf %get3A_115, %get3A_93 : vector<16xf32>
          %mul3A_121 = arith.mulf %mul3A_111, %get3A_119 : vector<16xf32>
          %add3A_122 = arith.addf %mul3A_120, %mul3A_121 : vector<16xf32>
          %swap3A_123 = arith.index_cast %add3A_86 : i32 to index
          %swap3A_124 = arith.constant 32 : index
          %swap3A_125 = tpu.vector_load %arg10[%swap3A_123, %swap3A_124] {strides = array<i32>} : memref<64x128xf32, #tpu.memory_space<vmem>>, vector<1x16xf32>,
          %swap3A_126 = vector.shape_cast %swap3A_125 : vector<1x16xf32> to vector<16xf32>
          %swap3A_127 = vector.shape_cast %add3A_122 : vector<16xf32> to vector<1x16xf32>
          tpu.vector_store %arg10[%swap3A_123, %swap3A_124], %swap3A_127 {strides = array<i32>} : memref<64x128xf32, #tpu.memory_space<vmem>>, vector<1x16xf32>,
          %get3A_128 = arith.index_cast %add3A_86 : i32 to index
          %get3A_129 = arith.constant 64 : index
          %get3A_130 = tpu.vector_load %arg8[%get3A_128, %get3A_129] {strides = array<i32>} : memref<64x160xf32, #tpu.memory_space<vmem>>, vector<1x16xf32>,
          %get3A_131 = vector.shape_cast %get3A_130 : vector<1x16xf32> to vector<16xf32>
          %get3A_132 = arith.index_cast %add3A_86 : i32 to index
          %get3A_133 = arith.constant 128 : index
          %get3A_134 = tpu.vector_load %arg9[%get3A_132, %get3A_133] {strides = array<i32>} : memref<64x256xf32, #tpu.memory_space<vmem>>, vector<1x16xf32>,
          %get3A_135 = vector.shape_cast %get3A_134 : vector<1x16xf32> to vector<16xf32>
          %mul3A_136 = arith.mulf %get3A_131, %get3A_93 : vector<16xf32>
          %mul3A_137 = arith.mulf %mul3A_111, %get3A_135 : vector<16xf32>
          %add3A_138 = arith.addf %mul3A_136, %mul3A_137 : vector<16xf32>
          %swap3A_139 = arith.index_cast %add3A_86 : i32 to index
          %swap3A_140 = arith.constant 64 : index
          %swap3A_141 = tpu.vector_load %arg10[%swap3A_139, %swap3A_140] {strides = array<i32>} : memref<64x128xf32, #tpu.memory_space<vmem>>, vector<1x16xf32>,
          %swap3A_142 = vector.shape_cast %swap3A_141 : vector<1x16xf32> to vector<16xf32>
          %swap3A_143 = vector.shape_cast %add3A_138 : vector<16xf32> to vector<1x16xf32>
          tpu.vector_store %arg10[%swap3A_139, %swap3A_140], %swap3A_143 {strides = array<i32>} : memref<64x128xf32, #tpu.memory_space<vmem>>, vector<1x16xf32>,
          %get3A_144 = arith.index_cast %add3A_86 : i32 to index
          %get3A_145 = arith.constant 96 : index
          %get3A_146 = tpu.vector_load %arg8[%get3A_144, %get3A_145] {strides = array<i32>} : memref<64x160xf32, #tpu.memory_space<vmem>>, vector<1x16xf32>,
          %get3A_147 = vector.shape_cast %get3A_146 : vector<1x16xf32> to vector<16xf32>
          %get3A_148 = arith.index_cast %add3A_86 : i32 to index
          %get3A_149 = arith.constant 160 : index
          %get3A_150 = tpu.vector_load %arg9[%get3A_148, %get3A_149] {strides = array<i32>} : memref<64x256xf32, #tpu.memory_space<vmem>>, vector<1x16xf32>,
          %get3A_151 = vector.shape_cast %get3A_150 : vector<1x16xf32> to vector<16xf32>
          %mul3A_152 = arith.mulf %get3A_147, %get3A_93 : vector<16xf32>
          %mul3A_153 = arith.mulf %mul3A_111, %get3A_151 : vector<16xf32>
          %add3A_154 = arith.addf %mul3A_152, %mul3A_153 : vector<16xf32>
          %swap3A_155 = arith.index_cast %add3A_86 : i32 to index
          %swap3A_156 = arith.constant 96 : index
          %swap3A_157 = tpu.vector_load %arg10[%swap3A_155, %swap3A_156] {strides = array<i32>} : memref<64x128xf32, #tpu.memory_space<vmem>>, vector<1x16xf32>,
          %swap3A_158 = vector.shape_cast %swap3A_157 : vector<1x16xf32> to vector<16xf32>
          %swap3A_159 = vector.shape_cast %add3A_154 : vector<16xf32> to vector<1x16xf32>
          tpu.vector_store %arg10[%swap3A_155, %swap3A_156], %swap3A_159 {strides = array<i32>} : memref<64x128xf32, #tpu.memory_space<vmem>>, vector<1x16xf32>,
          %get3A_160 = arith.index_cast %add3A_86 : i32 to index
          %get3A_161 = arith.constant 16 : index
          %get3A_162 = tpu.vector_load %arg9[%get3A_160, %get3A_161] {strides = array<i32>} : memref<64x256xf32, #tpu.memory_space<vmem>>, vector<1x16xf32>,
          %get3A_163 = vector.shape_cast %get3A_162 : vector<1x16xf32> to vector<16xf32>
          %get3A_164 = arith.index_cast %add3A_86 : i32 to index
          %get3A_165 = arith.constant 48 : index
          %get3A_166 = tpu.vector_load %arg9[%get3A_164, %get3A_165] {strides = array<i32>} : memref<64x256xf32, #tpu.memory_space<vmem>>, vector<1x16xf32>,
          %get3A_167 = vector.shape_cast %get3A_166 : vector<1x16xf32> to vector<16xf32>
          %get3A_168 = arith.index_cast %add3A_86 : i32 to index
          %get3A_169 = arith.constant 80 : index
          %get3A_170 = tpu.vector_load %arg9[%get3A_168, %get3A_169] {strides = array<i32>} : memref<64x256xf32, #tpu.memory_space<vmem>>, vector<1x16xf32>,
          %get3A_171 = vector.shape_cast %get3A_170 : vector<1x16xf32> to vector<16xf32>
          %get3A_172 = arith.index_cast %add3A_86 : i32 to index
          %get3A_173 = arith.constant 16 : index
          %get3A_174 = tpu.vector_load %arg8[%get3A_172, %get3A_173] {strides = array<i32>} : memref<64x160xf32, #tpu.memory_space<vmem>>, vector<1x16xf32>,
          %get3A_175 = vector.shape_cast %get3A_174 : vector<1x16xf32> to vector<16xf32>
          %mul3A_176 = arith.mulf %get3A_175, %get3A_163 : vector<16xf32>
          %swap3A_177 = arith.index_cast %add3A_86 : i32 to index
          %swap3A_178 = arith.constant 16 : index
          %swap3A_179 = tpu.vector_load %arg10[%swap3A_177, %swap3A_178] {strides = array<i32>} : memref<64x128xf32, #tpu.memory_space<vmem>>, vector<1x16xf32>,
          %swap3A_180 = vector.shape_cast %swap3A_179 : vector<1x16xf32> to vector<16xf32>
          %swap3A_181 = vector.shape_cast %mul3A_176 : vector<16xf32> to vector<1x16xf32>
          tpu.vector_store %arg10[%swap3A_177, %swap3A_178], %swap3A_181 {strides = array<i32>} : memref<64x128xf32, #tpu.memory_space<vmem>>, vector<1x16xf32>,
          %get3A_182 = arith.index_cast %add3A_86 : i32 to index
          %get3A_183 = arith.constant 144 : index
          %get3A_184 = tpu.vector_load %arg8[%get3A_182, %get3A_183] {strides = array<i32>} : memref<64x160xf32, #tpu.memory_space<vmem>>, vector<1x16xf32>,
          %get3A_185 = vector.shape_cast %get3A_184 : vector<1x16xf32> to vector<16xf32>
          %mul3A_186 = arith.mulf %get3A_185, %get3A_171 : vector<16xf32>
          %get3A_187 = arith.index_cast %add3A_86 : i32 to index
          %get3A_188 = arith.constant 48 : index
          %get3A_189 = tpu.vector_load %arg8[%get3A_187, %get3A_188] {strides = array<i32>} : memref<64x160xf32, #tpu.memory_space<vmem>>, vector<1x16xf32>,
          %get3A_190 = vector.shape_cast %get3A_189 : vector<1x16xf32> to vector<16xf32>
          %get3A_191 = arith.index_cast %add3A_86 : i32 to index
          %get3A_192 = arith.constant 112 : index
          %get3A_193 = tpu.vector_load %arg9[%get3A_191, %get3A_192] {strides = array<i32>} : memref<64x256xf32, #tpu.memory_space<vmem>>, vector<1x16xf32>,
          %get3A_194 = vector.shape_cast %get3A_193 : vector<1x16xf32> to vector<16xf32>
          %mul3A_195 = arith.mulf %get3A_190, %get3A_167 : vector<16xf32>
          %mul3A_196 = arith.mulf %mul3A_186, %get3A_194 : vector<16xf32>
          %add3A_197 = arith.addf %mul3A_195, %mul3A_196 : vector<16xf32>
          %swap3A_198 = arith.index_cast %add3A_86 : i32 to index
          %swap3A_199 = arith.constant 48 : index
          %swap3A_200 = tpu.vector_load %arg10[%swap3A_198, %swap3A_199] {strides = array<i32>} : memref<64x128xf32, #tpu.memory_space<vmem>>, vector<1x16xf32>,
          %swap3A_201 = vector.shape_cast %swap3A_200 : vector<1x16xf32> to vector<16xf32>
          %swap3A_202 = vector.shape_cast %add3A_197 : vector<16xf32> to vector<1x16xf32>
          tpu.vector_store %arg10[%swap3A_198, %swap3A_199], %swap3A_202 {strides = array<i32>} : memref<64x128xf32, #tpu.memory_space<vmem>>, vector<1x16xf32>,
          %get3A_203 = arith.index_cast %add3A_86 : i32 to index
          %get3A_204 = arith.constant 80 : index
          %get3A_205 = tpu.vector_load %arg8[%get3A_203, %get3A_204] {strides = array<i32>} : memref<64x160xf32, #tpu.memory_space<vmem>>, vector<1x16xf32>,
          %get3A_206 = vector.shape_cast %get3A_205 : vector<1x16xf32> to vector<16xf32>
          %get3A_207 = arith.index_cast %add3A_86 : i32 to index
          %get3A_208 = arith.constant 144 : index
          %get3A_209 = tpu.vector_load %arg9[%get3A_207, %get3A_208] {strides = array<i32>} : memref<64x256xf32, #tpu.memory_space<vmem>>, vector<1x16xf32>,
          %get3A_210 = vector.shape_cast %get3A_209 : vector<1x16xf32> to vector<16xf32>
          %mul3A_211 = arith.mulf %get3A_206, %get3A_167 : vector<16xf32>
          %mul3A_212 = arith.mulf %mul3A_186, %get3A_210 : vector<16xf32>
          %add3A_213 = arith.addf %mul3A_211, %mul3A_212 : vector<16xf32>
          %swap3A_214 = arith.index_cast %add3A_86 : i32 to index
          %swap3A_215 = arith.constant 80 : index
          %swap3A_216 = tpu.vector_load %arg10[%swap3A_214, %swap3A_215] {strides = array<i32>} : memref<64x128xf32, #tpu.memory_space<vmem>>, vector<1x16xf32>,
          %swap3A_217 = vector.shape_cast %swap3A_216 : vector<1x16xf32> to vector<16xf32>
          %swap3A_218 = vector.shape_cast %add3A_213 : vector<16xf32> to vector<1x16xf32>
          tpu.vector_store %arg10[%swap3A_214, %swap3A_215], %swap3A_218 {strides = array<i32>} : memref<64x128xf32, #tpu.memory_space<vmem>>, vector<1x16xf32>,
          %get3A_219 = arith.index_cast %add3A_86 : i32 to index
          %get3A_220 = arith.constant 112 : index
          %get3A_221 = tpu.vector_load %arg8[%get3A_219, %get3A_220] {strides = array<i32>} : memref<64x160xf32, #tpu.memory_space<vmem>>, vector<1x16xf32>,
          %get3A_222 = vector.shape_cast %get3A_221 : vector<1x16xf32> to vector<16xf32>
          %get3A_223 = arith.index_cast %add3A_86 : i32 to index
          %get3A_224 = arith.constant 176 : index
          %get3A_225 = tpu.vector_load %arg9[%get3A_223, %get3A_224] {strides = array<i32>} : memref<64x256xf32, #tpu.memory_space<vmem>>, vector<1x16xf32>,
          %get3A_226 = vector.shape_cast %get3A_225 : vector<1x16xf32> to vector<16xf32>
          %mul3A_227 = arith.mulf %get3A_222, %get3A_167 : vector<16xf32>
          %mul3A_228 = arith.mulf %mul3A_186, %get3A_226 : vector<16xf32>
          %add3A_229 = arith.addf %mul3A_227, %mul3A_228 : vector<16xf32>
          %swap3A_230 = arith.index_cast %add3A_86 : i32 to index
          %swap3A_231 = arith.constant 112 : index
          %swap3A_232 = tpu.vector_load %arg10[%swap3A_230, %swap3A_231] {strides = array<i32>} : memref<64x128xf32, #tpu.memory_space<vmem>>, vector<1x16xf32>,
          %swap3A_233 = vector.shape_cast %swap3A_232 : vector<1x16xf32> to vector<16xf32>
          %swap3A_234 = vector.shape_cast %add3A_229 : vector<16xf32> to vector<1x16xf32>
          tpu.vector_store %arg10[%swap3A_230, %swap3A_231], %swap3A_234 {strides = array<i32>} : memref<64x128xf32, #tpu.memory_space<vmem>>, vector<1x16xf32>,
        }
        %scan3A_80 = arith.constant 64 : i32
        %run_scoped3A_81 = arith.constant 0 : i32
        "tpu.region"() ({
          %run_scoped3A_82 = tpu.sem_alloc : memref<!tpu.dma_semaphore, #tpu.memory_space<semaphore_mem>>
          %dma_start3A = arith.constant 0 : i32
          %dma_start3A_83 = tpu.memref_slice %arg12[%run_scoped3A_81, %dma_start3A] : memref<1x64xi32, #tpu.memory_space<vmem>> -> memref<1x64xi32, #tpu.memory_space<vmem>>
          %dma_start3A_84 = tpu.memref_squeeze %dma_start3A_83 : memref<1x64xi32, #tpu.memory_space<vmem>> -> memref<64xi32, #tpu.memory_space<vmem>>
          %dma_start3A_85 = arith.constant 0 : i32
          %dma_start3A_86 = arith.constant 0 : i32
          %dma_start3A_87 = tpu.memref_slice %arg7[%dma_start3A_85, %dma_start3A_86] : memref<10000x128xf32, #tpu.memory_space<vmem_shared>> -> memref<10000x128xf32, #tpu.memory_space<vmem_shared>>
          tpu.enqueue_indirect_dma source(%arg10 : memref<64x128xf32, #tpu.memory_space<vmem>>) target(%dma_start3A_87 : memref<10000x128xf32, #tpu.memory_space<vmem_shared>>) offsets(%dma_start3A_84 : memref<64xi32, #tpu.memory_space<vmem>>) semaphore(%run_scoped3A_82 : memref<!tpu.dma_semaphore, #tpu.memory_space<semaphore_mem>>) {add = true}
          %dma_wait3A = arith.constant 0 : i32
          %dma_wait3A_88 = tpu.memref_slice %arg12[%run_scoped3A_81, %dma_wait3A] : memref<1x64xi32, #tpu.memory_space<vmem>> -> memref<1x64xi32, #tpu.memory_space<vmem>>
          %dma_wait3A_89 = tpu.memref_squeeze %dma_wait3A_88 : memref<1x64xi32, #tpu.memory_space<vmem>> -> memref<64xi32, #tpu.memory_space<vmem>>
          %dma_wait3A_90 = arith.constant 0 : i32
          %dma_wait3A_91 = arith.constant 0 : i32
          %dma_wait3A_92 = tpu.memref_slice %arg7[%dma_wait3A_90, %dma_wait3A_91] : memref<10000x128xf32, #tpu.memory_space<vmem_shared>> -> memref<10000x128xf32, #tpu.memory_space<vmem_shared>>
          tpu.wait_indirect_dma semaphore(%run_scoped3A_82 : memref<!tpu.dma_semaphore, #tpu.memory_space<semaphore_mem>>) src(%arg10 : memref<64x128xf32, #tpu.memory_space<vmem>>) dst(%dma_wait3A_92 : memref<10000x128xf32, #tpu.memory_space<vmem_shared>>)
          tpu.yield
        }) : () -> ()
      } else {
      }
    }
    %scan3A_13 = arith.constant 313 : i32
    %barrier3A_14 = arith.constant 0 : index
    tpu.barrier barrier_id(%barrier3A_14)
    %mul3A_15 = arith.constant 624 : i32
    %mul3A_16 = arith.muli %arg1, %mul3A_15 : i32
    %mul3A_17 = arith.constant 624 : i32
    %mul3A_18 = arith.muli %arg1, %mul3A_17 : i32
    "tpu.region"() ({
      %run_scoped3A = tpu.sem_alloc : memref<!tpu.dma_semaphore, #tpu.memory_space<semaphore_mem>>
      %dma_start3A = arith.constant 0 : i32
      %dma_start3A_57 = tpu.memref_slice %arg6[%add3A_1, %mul3A_18, %dma_start3A] : memref<4x10000x128xf32, #tpu.memory_space<hbm>> -> memref<1x624x128xf32, #tpu.memory_space<hbm>>
      %dma_start3A_58 = tpu.memref_squeeze %dma_start3A_57 : memref<1x624x128xf32, #tpu.memory_space<hbm>> -> memref<624x128xf32, #tpu.memory_space<hbm>>
      %dma_start3A_59 = arith.constant 0 : i32
      %dma_start3A_60 = tpu.memref_slice %arg7[%mul3A_16, %dma_start3A_59] : memref<10000x128xf32, #tpu.memory_space<vmem_shared>> -> memref<624x128xf32, #tpu.memory_space<vmem_shared>>
      tpu.enqueue_dma source(%dma_start3A_60 : memref<624x128xf32, #tpu.memory_space<vmem_shared>>) target(%dma_start3A_58 : memref<624x128xf32, #tpu.memory_space<hbm>>) target_semaphore(%run_scoped3A : memref<!tpu.dma_semaphore, #tpu.memory_space<semaphore_mem>>)
      %dma_wait3A = arith.constant 0 : i32
      %dma_wait3A_61 = tpu.memref_slice %arg6[%add3A_1, %mul3A_18, %dma_wait3A] : memref<4x10000x128xf32, #tpu.memory_space<hbm>> -> memref<1x624x128xf32, #tpu.memory_space<hbm>>
      %dma_wait3A_62 = tpu.memref_squeeze %dma_wait3A_61 : memref<1x624x128xf32, #tpu.memory_space<hbm>> -> memref<624x128xf32, #tpu.memory_space<hbm>>
      %dma_wait3A_63 = arith.constant 0 : i32
      %dma_wait3A_64 = tpu.memref_slice %arg7[%mul3A_16, %dma_wait3A_63] : memref<10000x128xf32, #tpu.memory_space<vmem_shared>> -> memref<624x128xf32, #tpu.memory_space<vmem_shared>>
      tpu.wait_dma2 semaphore(%run_scoped3A : memref<!tpu.dma_semaphore, #tpu.memory_space<semaphore_mem>>) src(%dma_wait3A_64 : memref<624x128xf32, #tpu.memory_space<vmem_shared>>) dst(%dma_wait3A_62 : memref<624x128xf32, #tpu.memory_space<hbm>>)
      tpu.yield
    }) : () -> ()
    %eq3A_19 = arith.constant 15 : i32
    %eq3A_20 = arith.cmpi eq, %arg1, %eq3A_19 : i32
    %convert_element_type3A_21 = arith.extui %eq3A_20 : i1 to i32
    %cond3A_22 = arith.constant 0 : i32
    %cond3A_23 = arith.cmpi ne, %convert_element_type3A_21, %cond3A_22 : i32
    scf.if %cond3A_23 {
      "tpu.region"() ({
        %run_scoped3A = tpu.sem_alloc : memref<!tpu.dma_semaphore, #tpu.memory_space<semaphore_mem>>
        %dma_start3A = arith.constant 9984 : i32
        %dma_start3A_57 = arith.constant 0 : i32
        %dma_start3A_58 = tpu.memref_slice %arg6[%add3A_1, %dma_start3A, %dma_start3A_57] : memref<4x10000x128xf32, #tpu.memory_space<hbm>> -> memref<1x16x128xf32, #tpu.memory_space<hbm>>
        %dma_start3A_59 = tpu.memref_squeeze %dma_start3A_58 : memref<1x16x128xf32, #tpu.memory_space<hbm>> -> memref<16x128xf32, #tpu.memory_space<hbm>>
        %dma_start3A_60 = arith.constant 9984 : i32
        %dma_start3A_61 = arith.constant 0 : i32
        %dma_start3A_62 = tpu.memref_slice %arg7[%dma_start3A_60, %dma_start3A_61] : memref<10000x128xf32, #tpu.memory_space<vmem_shared>> -> memref<16x128xf32, #tpu.memory_space<vmem_shared>>
        tpu.enqueue_dma source(%dma_start3A_62 : memref<16x128xf32, #tpu.memory_space<vmem_shared>>) target(%dma_start3A_59 : memref<16x128xf32, #tpu.memory_space<hbm>>) target_semaphore(%run_scoped3A : memref<!tpu.dma_semaphore, #tpu.memory_space<semaphore_mem>>)
        %dma_wait3A = arith.constant 9984 : i32
        %dma_wait3A_63 = arith.constant 0 : i32
        %dma_wait3A_64 = tpu.memref_slice %arg6[%add3A_1, %dma_wait3A, %dma_wait3A_63] : memref<4x10000x128xf32, #tpu.memory_space<hbm>> -> memref<1x16x128xf32, #tpu.memory_space<hbm>>
        %dma_wait3A_65 = tpu.memref_squeeze %dma_wait3A_64 : memref<1x16x128xf32, #tpu.memory_space<hbm>> -> memref<16x128xf32, #tpu.memory_space<hbm>>
        %dma_wait3A_66 = arith.constant 9984 : i32
        %dma_wait3A_67 = arith.constant 0 : i32
        %dma_wait3A_68 = tpu.memref_slice %arg7[%dma_wait3A_66, %dma_wait3A_67] : memref<10000x128xf32, #tpu.memory_space<vmem_shared>> -> memref<16x128xf32, #tpu.memory_space<vmem_shared>>
        tpu.wait_dma2 semaphore(%run_scoped3A : memref<!tpu.dma_semaphore, #tpu.memory_space<semaphore_mem>>) src(%dma_wait3A_68 : memref<16x128xf32, #tpu.memory_space<vmem_shared>>) dst(%dma_wait3A_65 : memref<16x128xf32, #tpu.memory_space<hbm>>)
        tpu.yield
      }) : () -> ()
    } else {
    }
    %barrier3A_24 = arith.constant 0 : index
    tpu.barrier barrier_id(%barrier3A_24)
    %mul3A_25 = arith.constant 2 : i32
    %mul3A_26 = arith.muli %arg0, %mul3A_25 : i32
    %add3A_27 = arith.constant 1 : i32
    %add3A_28 = arith.addi %mul3A_26, %add3A_27 : i32
    %mul3A_29 = arith.constant 624 : i32
    %mul3A_30 = arith.muli %arg1, %mul3A_29 : i32
    %mul3A_31 = arith.constant 624 : i32
    %mul3A_32 = arith.muli %arg1, %mul3A_31 : i32
    "tpu.region"() ({
      %run_scoped3A = tpu.sem_alloc : memref<!tpu.dma_semaphore, #tpu.memory_space<semaphore_mem>>
      %dma_start3A = arith.constant 0 : i32
      %dma_start3A_57 = tpu.memref_slice %arg7[%mul3A_32, %dma_start3A] : memref<10000x128xf32, #tpu.memory_space<vmem_shared>> -> memref<624x128xf32, #tpu.memory_space<vmem_shared>>
      %dma_start3A_58 = arith.constant 0 : i32
      %dma_start3A_59 = tpu.memref_slice %arg4[%add3A_28, %mul3A_30, %dma_start3A_58] : memref<4x10000x128xf32, #tpu.memory_space<hbm>> -> memref<1x624x128xf32, #tpu.memory_space<hbm>>
      %dma_start3A_60 = tpu.memref_squeeze %dma_start3A_59 : memref<1x624x128xf32, #tpu.memory_space<hbm>> -> memref<624x128xf32, #tpu.memory_space<hbm>>
      tpu.enqueue_dma source(%dma_start3A_60 : memref<624x128xf32, #tpu.memory_space<hbm>>) target(%dma_start3A_57 : memref<624x128xf32, #tpu.memory_space<vmem_shared>>) target_semaphore(%run_scoped3A : memref<!tpu.dma_semaphore, #tpu.memory_space<semaphore_mem>>)
      %dma_wait3A = arith.constant 0 : i32
      %dma_wait3A_61 = tpu.memref_slice %arg7[%mul3A_32, %dma_wait3A] : memref<10000x128xf32, #tpu.memory_space<vmem_shared>> -> memref<624x128xf32, #tpu.memory_space<vmem_shared>>
      %dma_wait3A_62 = arith.constant 0 : i32
      %dma_wait3A_63 = tpu.memref_slice %arg4[%add3A_28, %mul3A_30, %dma_wait3A_62] : memref<4x10000x128xf32, #tpu.memory_space<hbm>> -> memref<1x624x128xf32, #tpu.memory_space<hbm>>
      %dma_wait3A_64 = tpu.memref_squeeze %dma_wait3A_63 : memref<1x624x128xf32, #tpu.memory_space<hbm>> -> memref<624x128xf32, #tpu.memory_space<hbm>>
      tpu.wait_dma2 semaphore(%run_scoped3A : memref<!tpu.dma_semaphore, #tpu.memory_space<semaphore_mem>>) src(%dma_wait3A_64 : memref<624x128xf32, #tpu.memory_space<hbm>>) dst(%dma_wait3A_61 : memref<624x128xf32, #tpu.memory_space<vmem_shared>>)
      tpu.yield
    }) : () -> ()
    %eq3A_33 = arith.constant 15 : i32
    %eq3A_34 = arith.cmpi eq, %arg1, %eq3A_33 : i32
    %convert_element_type3A_35 = arith.extui %eq3A_34 : i1 to i32
    %cond3A_36 = arith.constant 0 : i32
    %cond3A_37 = arith.cmpi ne, %convert_element_type3A_35, %cond3A_36 : i32
    scf.if %cond3A_37 {
      "tpu.region"() ({
        %run_scoped3A = tpu.sem_alloc : memref<!tpu.dma_semaphore, #tpu.memory_space<semaphore_mem>>
        %dma_start3A = arith.constant 9984 : i32
        %dma_start3A_57 = arith.constant 0 : i32
        %dma_start3A_58 = tpu.memref_slice %arg7[%dma_start3A, %dma_start3A_57] : memref<10000x128xf32, #tpu.memory_space<vmem_shared>> -> memref<16x128xf32, #tpu.memory_space<vmem_shared>>
        %dma_start3A_59 = arith.constant 9984 : i32
        %dma_start3A_60 = arith.constant 0 : i32
        %dma_start3A_61 = tpu.memref_slice %arg4[%add3A_28, %dma_start3A_59, %dma_start3A_60] : memref<4x10000x128xf32, #tpu.memory_space<hbm>> -> memref<1x16x128xf32, #tpu.memory_space<hbm>>
        %dma_start3A_62 = tpu.memref_squeeze %dma_start3A_61 : memref<1x16x128xf32, #tpu.memory_space<hbm>> -> memref<16x128xf32, #tpu.memory_space<hbm>>
        tpu.enqueue_dma source(%dma_start3A_62 : memref<16x128xf32, #tpu.memory_space<hbm>>) target(%dma_start3A_58 : memref<16x128xf32, #tpu.memory_space<vmem_shared>>) target_semaphore(%run_scoped3A : memref<!tpu.dma_semaphore, #tpu.memory_space<semaphore_mem>>)
        %dma_wait3A = arith.constant 9984 : i32
        %dma_wait3A_63 = arith.constant 0 : i32
        %dma_wait3A_64 = tpu.memref_slice %arg7[%dma_wait3A, %dma_wait3A_63] : memref<10000x128xf32, #tpu.memory_space<vmem_shared>> -> memref<16x128xf32, #tpu.memory_space<vmem_shared>>
        %dma_wait3A_65 = arith.constant 9984 : i32
        %dma_wait3A_66 = arith.constant 0 : i32
        %dma_wait3A_67 = tpu.memref_slice %arg4[%add3A_28, %dma_wait3A_65, %dma_wait3A_66] : memref<4x10000x128xf32, #tpu.memory_space<hbm>> -> memref<1x16x128xf32, #tpu.memory_space<hbm>>
        %dma_wait3A_68 = tpu.memref_squeeze %dma_wait3A_67 : memref<1x16x128xf32, #tpu.memory_space<hbm>> -> memref<16x128xf32, #tpu.memory_space<hbm>>
        tpu.wait_dma2 semaphore(%run_scoped3A : memref<!tpu.dma_semaphore, #tpu.memory_space<semaphore_mem>>) src(%dma_wait3A_68 : memref<16x128xf32, #tpu.memory_space<hbm>>) dst(%dma_wait3A_64 : memref<16x128xf32, #tpu.memory_space<vmem_shared>>)
        tpu.yield
      }) : () -> ()
    } else {
    }
    %barrier3A_38 = arith.constant 0 : index
    tpu.barrier barrier_id(%barrier3A_38)
    %mul3A_39 = arith.constant 10000 : i32
    %mul3A_40 = arith.muli %add3A_28, %mul3A_39 : i32
    %scan3A_41 = arith.constant 0 : i32
    %scan3A_42 = arith.constant 313 : i32
    %scan3A_43 = arith.addi %scan3A_41, %scan3A_42 : i32
    %scan3A_44 = arith.constant 1 : i32
    scf.for %scan3A_57 = %scan3A_41 to %scan3A_43 step %scan3A_44  : i32 {
      %mul3A_58 = arith.constant 1 : i32
      %mul3A_59 = arith.muli %scan3A_57, %mul3A_58 : i32
      %add3A_60 = arith.constant 0 : i32
      %add3A_61 = arith.addi %add3A_60, %mul3A_59 : i32
      %mul3A_62 = arith.constant 16 : i32
      %mul3A_63 = arith.muli %add3A_61, %mul3A_62 : i32
      %add3A_64 = arith.addi %mul3A_63, %arg1 : i32
      %lt3A = arith.constant 5000 : i32
      %lt3A_65 = arith.cmpi slt, %add3A_64, %lt3A : i32
      %convert_element_type3A_66 = arith.extui %lt3A_65 : i1 to i32
      %cond3A_67 = arith.constant 0 : i32
      %cond3A_68 = arith.cmpi ne, %convert_element_type3A_66, %cond3A_67 : i32
      scf.if %cond3A_68 {
        %mul3A_69 = arith.constant 64 : i32
        %mul3A_70 = arith.muli %add3A_64, %mul3A_69 : i32
        "tpu.region"() ({
          %run_scoped3A_82 = tpu.sem_alloc : memref<!tpu.dma_semaphore, #tpu.memory_space<semaphore_mem>>
          %dma_start3A = arith.constant 0 : i32
          %dma_start3A_83 = arith.constant 0 : i32
          %dma_start3A_84 = tpu.memref_slice %arg5[%add3A_64, %dma_start3A, %dma_start3A_83] : memref<5000x2x64xi32, #tpu.memory_space<hbm>> -> memref<1x2x64xi32, #tpu.memory_space<hbm>>
          %dma_start3A_85 = tpu.memref_squeeze %dma_start3A_84 : memref<1x2x64xi32, #tpu.memory_space<hbm>> -> memref<2x64xi32, #tpu.memory_space<hbm>>
          %dma_start3A_86 = arith.constant 0 : i32
          %dma_start3A_87 = arith.constant 0 : i32
          %dma_start3A_88 = tpu.memref_slice %arg5[%add3A_64, %dma_start3A_86, %dma_start3A_87] : memref<5000x2x64xi32, #tpu.memory_space<hbm>> -> memref<1x2x64xi32, #tpu.memory_space<hbm>>
          %dma_start3A_89 = tpu.memref_squeeze %dma_start3A_88 : memref<1x2x64xi32, #tpu.memory_space<hbm>> -> memref<2x64xi32, #tpu.memory_space<hbm>>
          tpu.enqueue_dma source(%dma_start3A_89 : memref<2x64xi32, #tpu.memory_space<hbm>>) target(%arg11 : memref<2x64xi32, #tpu.memory_space<vmem>>) target_semaphore(%run_scoped3A_82 : memref<!tpu.dma_semaphore, #tpu.memory_space<semaphore_mem>>)
          %dma_wait3A = arith.constant 0 : i32
          %dma_wait3A_90 = arith.constant 0 : i32
          %dma_wait3A_91 = tpu.memref_slice %arg5[%add3A_64, %dma_wait3A, %dma_wait3A_90] : memref<5000x2x64xi32, #tpu.memory_space<hbm>> -> memref<1x2x64xi32, #tpu.memory_space<hbm>>
          %dma_wait3A_92 = tpu.memref_squeeze %dma_wait3A_91 : memref<1x2x64xi32, #tpu.memory_space<hbm>> -> memref<2x64xi32, #tpu.memory_space<hbm>>
          %dma_wait3A_93 = arith.constant 0 : i32
          %dma_wait3A_94 = arith.constant 0 : i32
          %dma_wait3A_95 = tpu.memref_slice %arg5[%add3A_64, %dma_wait3A_93, %dma_wait3A_94] : memref<5000x2x64xi32, #tpu.memory_space<hbm>> -> memref<1x2x64xi32, #tpu.memory_space<hbm>>
          %dma_wait3A_96 = tpu.memref_squeeze %dma_wait3A_95 : memref<1x2x64xi32, #tpu.memory_space<hbm>> -> memref<2x64xi32, #tpu.memory_space<hbm>>
          tpu.wait_dma2 semaphore(%run_scoped3A_82 : memref<!tpu.dma_semaphore, #tpu.memory_space<semaphore_mem>>) src(%dma_wait3A_96 : memref<2x64xi32, #tpu.memory_space<hbm>>) dst(%arg11 : memref<2x64xi32, #tpu.memory_space<vmem>>)
          tpu.yield
        }) : () -> ()
        "tpu.region"() ({
          %run_scoped3A_82 = tpu.sem_alloc : memref<!tpu.dma_semaphore, #tpu.memory_space<semaphore_mem>>
          %dma_start3A = arith.constant 0 : i32
          %dma_start3A_83 = tpu.memref_slice %arg3[%add3A_28, %mul3A_70, %dma_start3A] : memref<4x320000x160xf32, #tpu.memory_space<hbm>> -> memref<1x64x160xf32, #tpu.memory_space<hbm>>
          %dma_start3A_84 = tpu.memref_squeeze %dma_start3A_83 : memref<1x64x160xf32, #tpu.memory_space<hbm>> -> memref<64x160xf32, #tpu.memory_space<hbm>>
          %dma_start3A_85 = arith.constant 0 : i32
          %dma_start3A_86 = tpu.memref_slice %arg3[%add3A_28, %mul3A_70, %dma_start3A_85] : memref<4x320000x160xf32, #tpu.memory_space<hbm>> -> memref<1x64x160xf32, #tpu.memory_space<hbm>>
          %dma_start3A_87 = tpu.memref_squeeze %dma_start3A_86 : memref<1x64x160xf32, #tpu.memory_space<hbm>> -> memref<64x160xf32, #tpu.memory_space<hbm>>
          tpu.enqueue_dma source(%dma_start3A_87 : memref<64x160xf32, #tpu.memory_space<hbm>>) target(%arg8 : memref<64x160xf32, #tpu.memory_space<vmem>>) target_semaphore(%run_scoped3A_82 : memref<!tpu.dma_semaphore, #tpu.memory_space<semaphore_mem>>)
          %dma_wait3A = arith.constant 0 : i32
          %dma_wait3A_88 = tpu.memref_slice %arg3[%add3A_28, %mul3A_70, %dma_wait3A] : memref<4x320000x160xf32, #tpu.memory_space<hbm>> -> memref<1x64x160xf32, #tpu.memory_space<hbm>>
          %dma_wait3A_89 = tpu.memref_squeeze %dma_wait3A_88 : memref<1x64x160xf32, #tpu.memory_space<hbm>> -> memref<64x160xf32, #tpu.memory_space<hbm>>
          %dma_wait3A_90 = arith.constant 0 : i32
          %dma_wait3A_91 = tpu.memref_slice %arg3[%add3A_28, %mul3A_70, %dma_wait3A_90] : memref<4x320000x160xf32, #tpu.memory_space<hbm>> -> memref<1x64x160xf32, #tpu.memory_space<hbm>>
          %dma_wait3A_92 = tpu.memref_squeeze %dma_wait3A_91 : memref<1x64x160xf32, #tpu.memory_space<hbm>> -> memref<64x160xf32, #tpu.memory_space<hbm>>
          tpu.wait_dma2 semaphore(%run_scoped3A_82 : memref<!tpu.dma_semaphore, #tpu.memory_space<semaphore_mem>>) src(%dma_wait3A_92 : memref<64x160xf32, #tpu.memory_space<hbm>>) dst(%arg8 : memref<64x160xf32, #tpu.memory_space<vmem>>)
          tpu.yield
        }) : () -> ()
        %scan3A_71 = arith.constant 0 : i32
        %scan3A_72 = arith.constant 4 : i32
        %scan3A_73 = arith.addi %scan3A_71, %scan3A_72 : i32
        %scan3A_74 = arith.constant 1 : i32
        scf.for %scan3A_82 = %scan3A_71 to %scan3A_73 step %scan3A_74  : i32 {
          %mul3A_83 = arith.constant 16 : i32
          %mul3A_84 = arith.muli %scan3A_82, %mul3A_83 : i32
          %add3A_85 = arith.constant 0 : i32
          %add3A_86 = arith.addi %add3A_85, %mul3A_84 : i32
          %get3A = arith.constant 0 : i32
          %get3A_87 = arith.index_cast %get3A : i32 to index
          %get3A_88 = arith.index_cast %add3A_86 : i32 to index
          %get3A_89 = tpu.vector_load %arg11[%get3A_87, %get3A_88] {strides = array<i32>} : memref<2x64xi32, #tpu.memory_space<vmem>>, vector<1x16xi32>,
          %get3A_90 = vector.shape_cast %get3A_89 : vector<1x16xi32> to vector<16xi32>
          %swap3A = arith.constant 0 : i32
          %swap3A_91 = arith.index_cast %swap3A : i32 to index
          %swap3A_92 = arith.index_cast %add3A_86 : i32 to index
          %swap3A_93 = tpu.vector_load %arg12[%swap3A_91, %swap3A_92] {strides = array<i32>} : memref<1x64xi32, #tpu.memory_space<vmem>>, vector<1x16xi32>,
          %swap3A_94 = vector.shape_cast %swap3A_93 : vector<1x16xi32> to vector<16xi32>
          %swap3A_95 = vector.shape_cast %get3A_90 : vector<16xi32> to vector<1x16xi32>
          tpu.vector_store %arg12[%swap3A_91, %swap3A_92], %swap3A_95 {strides = array<i32>} : memref<1x64xi32, #tpu.memory_space<vmem>>, vector<1x16xi32>,
          %get3A_96 = arith.constant 1 : i32
          %get3A_97 = arith.index_cast %get3A_96 : i32 to index
          %get3A_98 = arith.index_cast %add3A_86 : i32 to index
          %get3A_99 = tpu.vector_load %arg11[%get3A_97, %get3A_98] {strides = array<i32>} : memref<2x64xi32, #tpu.memory_space<vmem>>, vector<1x16xi32>,
          %get3A_100 = vector.shape_cast %get3A_99 : vector<1x16xi32> to vector<16xi32>
          %add3A_101 = vector.broadcast %mul3A_40 : i32 to vector<16xi32>
          %add3A_102 = arith.addi %get3A_100, %add3A_101 : vector<16xi32>
          %swap3A_103 = arith.constant 0 : i32
          %swap3A_104 = arith.index_cast %swap3A_103 : i32 to index
          %swap3A_105 = arith.index_cast %add3A_86 : i32 to index
          %swap3A_106 = tpu.vector_load %arg13[%swap3A_104, %swap3A_105] {strides = array<i32>} : memref<1x64xi32, #tpu.memory_space<vmem>>, vector<1x16xi32>,
          %swap3A_107 = vector.shape_cast %swap3A_106 : vector<1x16xi32> to vector<16xi32>
          %swap3A_108 = vector.shape_cast %add3A_102 : vector<16xi32> to vector<1x16xi32>
          tpu.vector_store %arg13[%swap3A_104, %swap3A_105], %swap3A_108 {strides = array<i32>} : memref<1x64xi32, #tpu.memory_space<vmem>>, vector<1x16xi32>,
        }
        %scan3A_75 = arith.constant 4 : i32
        %run_scoped3A = arith.constant 0 : i32
        "tpu.region"() ({
          %run_scoped3A_82 = tpu.sem_alloc : memref<!tpu.dma_semaphore, #tpu.memory_space<semaphore_mem>>
          %dma_start3A = arith.constant 0 : i32
          %dma_start3A_83 = tpu.memref_slice %arg13[%run_scoped3A, %dma_start3A] : memref<1x64xi32, #tpu.memory_space<vmem>> -> memref<1x64xi32, #tpu.memory_space<vmem>>
          %dma_start3A_84 = tpu.memref_squeeze %dma_start3A_83 : memref<1x64xi32, #tpu.memory_space<vmem>> -> memref<64xi32, #tpu.memory_space<vmem>>
          %dma_start3A_85 = arith.constant 0 : i32
          %dma_start3A_86 = arith.constant 0 : i32
          %dma_start3A_87 = tpu.memref_slice %arg2[%dma_start3A_85, %dma_start3A_86] : memref<40000x256xf32, #tpu.memory_space<hbm>> -> memref<40000x256xf32, #tpu.memory_space<hbm>>
          tpu.enqueue_indirect_dma source(%dma_start3A_87 : memref<40000x256xf32, #tpu.memory_space<hbm>>) target(%arg9 : memref<64x256xf32, #tpu.memory_space<vmem>>) offsets(%dma_start3A_84 : memref<64xi32, #tpu.memory_space<vmem>>) semaphore(%run_scoped3A_82 : memref<!tpu.dma_semaphore, #tpu.memory_space<semaphore_mem>>)
          %dma_wait3A = arith.constant 0 : i32
          %dma_wait3A_88 = tpu.memref_slice %arg13[%run_scoped3A, %dma_wait3A] : memref<1x64xi32, #tpu.memory_space<vmem>> -> memref<1x64xi32, #tpu.memory_space<vmem>>
          %dma_wait3A_89 = tpu.memref_squeeze %dma_wait3A_88 : memref<1x64xi32, #tpu.memory_space<vmem>> -> memref<64xi32, #tpu.memory_space<vmem>>
          %dma_wait3A_90 = arith.constant 0 : i32
          %dma_wait3A_91 = arith.constant 0 : i32
          %dma_wait3A_92 = tpu.memref_slice %arg2[%dma_wait3A_90, %dma_wait3A_91] : memref<40000x256xf32, #tpu.memory_space<hbm>> -> memref<40000x256xf32, #tpu.memory_space<hbm>>
          tpu.wait_indirect_dma semaphore(%run_scoped3A_82 : memref<!tpu.dma_semaphore, #tpu.memory_space<semaphore_mem>>) src(%dma_wait3A_92 : memref<40000x256xf32, #tpu.memory_space<hbm>>) dst(%arg9 : memref<64x256xf32, #tpu.memory_space<vmem>>)
          tpu.yield
        }) : () -> ()
        %scan3A_76 = arith.constant 0 : i32
        %scan3A_77 = arith.constant 64 : i32
        %scan3A_78 = arith.addi %scan3A_76, %scan3A_77 : i32
        %scan3A_79 = arith.constant 1 : i32
        scf.for %scan3A_82 = %scan3A_76 to %scan3A_78 step %scan3A_79  : i32 {
          %mul3A_83 = arith.constant 1 : i32
          %mul3A_84 = arith.muli %scan3A_82, %mul3A_83 : i32
          %add3A_85 = arith.constant 0 : i32
          %add3A_86 = arith.addi %add3A_85, %mul3A_84 : i32
          %get3A = arith.index_cast %add3A_86 : i32 to index
          %get3A_87 = arith.constant 0 : index
          %get3A_88 = tpu.vector_load %arg9[%get3A, %get3A_87] {strides = array<i32>} : memref<64x256xf32, #tpu.memory_space<vmem>>, vector<1x16xf32>,
          %get3A_89 = vector.shape_cast %get3A_88 : vector<1x16xf32> to vector<16xf32>
          %get3A_90 = arith.index_cast %add3A_86 : i32 to index
          %get3A_91 = arith.constant 32 : index
          %get3A_92 = tpu.vector_load %arg9[%get3A_90, %get3A_91] {strides = array<i32>} : memref<64x256xf32, #tpu.memory_space<vmem>>, vector<1x16xf32>,
          %get3A_93 = vector.shape_cast %get3A_92 : vector<1x16xf32> to vector<16xf32>
          %get3A_94 = arith.index_cast %add3A_86 : i32 to index
          %get3A_95 = arith.constant 64 : index
          %get3A_96 = tpu.vector_load %arg9[%get3A_94, %get3A_95] {strides = array<i32>} : memref<64x256xf32, #tpu.memory_space<vmem>>, vector<1x16xf32>,
          %get3A_97 = vector.shape_cast %get3A_96 : vector<1x16xf32> to vector<16xf32>
          %get3A_98 = arith.index_cast %add3A_86 : i32 to index
          %get3A_99 = arith.constant 0 : index
          %get3A_100 = tpu.vector_load %arg8[%get3A_98, %get3A_99] {strides = array<i32>} : memref<64x160xf32, #tpu.memory_space<vmem>>, vector<1x16xf32>,
          %get3A_101 = vector.shape_cast %get3A_100 : vector<1x16xf32> to vector<16xf32>
          %mul3A_102 = arith.mulf %get3A_101, %get3A_89 : vector<16xf32>
          %swap3A = arith.index_cast %add3A_86 : i32 to index
          %swap3A_103 = arith.constant 0 : index
          %swap3A_104 = tpu.vector_load %arg10[%swap3A, %swap3A_103] {strides = array<i32>} : memref<64x128xf32, #tpu.memory_space<vmem>>, vector<1x16xf32>,
          %swap3A_105 = vector.shape_cast %swap3A_104 : vector<1x16xf32> to vector<16xf32>
          %swap3A_106 = vector.shape_cast %mul3A_102 : vector<16xf32> to vector<1x16xf32>
          tpu.vector_store %arg10[%swap3A, %swap3A_103], %swap3A_106 {strides = array<i32>} : memref<64x128xf32, #tpu.memory_space<vmem>>, vector<1x16xf32>,
          %get3A_107 = arith.index_cast %add3A_86 : i32 to index
          %get3A_108 = arith.constant 128 : index
          %get3A_109 = tpu.vector_load %arg8[%get3A_107, %get3A_108] {strides = array<i32>} : memref<64x160xf32, #tpu.memory_space<vmem>>, vector<1x16xf32>,
          %get3A_110 = vector.shape_cast %get3A_109 : vector<1x16xf32> to vector<16xf32>
          %mul3A_111 = arith.mulf %get3A_110, %get3A_97 : vector<16xf32>
          %get3A_112 = arith.index_cast %add3A_86 : i32 to index
          %get3A_113 = arith.constant 32 : index
          %get3A_114 = tpu.vector_load %arg8[%get3A_112, %get3A_113] {strides = array<i32>} : memref<64x160xf32, #tpu.memory_space<vmem>>, vector<1x16xf32>,
          %get3A_115 = vector.shape_cast %get3A_114 : vector<1x16xf32> to vector<16xf32>
          %get3A_116 = arith.index_cast %add3A_86 : i32 to index
          %get3A_117 = arith.constant 96 : index
          %get3A_118 = tpu.vector_load %arg9[%get3A_116, %get3A_117] {strides = array<i32>} : memref<64x256xf32, #tpu.memory_space<vmem>>, vector<1x16xf32>,
          %get3A_119 = vector.shape_cast %get3A_118 : vector<1x16xf32> to vector<16xf32>
          %mul3A_120 = arith.mulf %get3A_115, %get3A_93 : vector<16xf32>
          %mul3A_121 = arith.mulf %mul3A_111, %get3A_119 : vector<16xf32>
          %add3A_122 = arith.addf %mul3A_120, %mul3A_121 : vector<16xf32>
          %swap3A_123 = arith.index_cast %add3A_86 : i32 to index
          %swap3A_124 = arith.constant 32 : index
          %swap3A_125 = tpu.vector_load %arg10[%swap3A_123, %swap3A_124] {strides = array<i32>} : memref<64x128xf32, #tpu.memory_space<vmem>>, vector<1x16xf32>,
          %swap3A_126 = vector.shape_cast %swap3A_125 : vector<1x16xf32> to vector<16xf32>
          %swap3A_127 = vector.shape_cast %add3A_122 : vector<16xf32> to vector<1x16xf32>
          tpu.vector_store %arg10[%swap3A_123, %swap3A_124], %swap3A_127 {strides = array<i32>} : memref<64x128xf32, #tpu.memory_space<vmem>>, vector<1x16xf32>,
          %get3A_128 = arith.index_cast %add3A_86 : i32 to index
          %get3A_129 = arith.constant 64 : index
          %get3A_130 = tpu.vector_load %arg8[%get3A_128, %get3A_129] {strides = array<i32>} : memref<64x160xf32, #tpu.memory_space<vmem>>, vector<1x16xf32>,
          %get3A_131 = vector.shape_cast %get3A_130 : vector<1x16xf32> to vector<16xf32>
          %get3A_132 = arith.index_cast %add3A_86 : i32 to index
          %get3A_133 = arith.constant 128 : index
          %get3A_134 = tpu.vector_load %arg9[%get3A_132, %get3A_133] {strides = array<i32>} : memref<64x256xf32, #tpu.memory_space<vmem>>, vector<1x16xf32>,
          %get3A_135 = vector.shape_cast %get3A_134 : vector<1x16xf32> to vector<16xf32>
          %mul3A_136 = arith.mulf %get3A_131, %get3A_93 : vector<16xf32>
          %mul3A_137 = arith.mulf %mul3A_111, %get3A_135 : vector<16xf32>
          %add3A_138 = arith.addf %mul3A_136, %mul3A_137 : vector<16xf32>
          %swap3A_139 = arith.index_cast %add3A_86 : i32 to index
          %swap3A_140 = arith.constant 64 : index
          %swap3A_141 = tpu.vector_load %arg10[%swap3A_139, %swap3A_140] {strides = array<i32>} : memref<64x128xf32, #tpu.memory_space<vmem>>, vector<1x16xf32>,
          %swap3A_142 = vector.shape_cast %swap3A_141 : vector<1x16xf32> to vector<16xf32>
          %swap3A_143 = vector.shape_cast %add3A_138 : vector<16xf32> to vector<1x16xf32>
          tpu.vector_store %arg10[%swap3A_139, %swap3A_140], %swap3A_143 {strides = array<i32>} : memref<64x128xf32, #tpu.memory_space<vmem>>, vector<1x16xf32>,
          %get3A_144 = arith.index_cast %add3A_86 : i32 to index
          %get3A_145 = arith.constant 96 : index
          %get3A_146 = tpu.vector_load %arg8[%get3A_144, %get3A_145] {strides = array<i32>} : memref<64x160xf32, #tpu.memory_space<vmem>>, vector<1x16xf32>,
          %get3A_147 = vector.shape_cast %get3A_146 : vector<1x16xf32> to vector<16xf32>
          %get3A_148 = arith.index_cast %add3A_86 : i32 to index
          %get3A_149 = arith.constant 160 : index
          %get3A_150 = tpu.vector_load %arg9[%get3A_148, %get3A_149] {strides = array<i32>} : memref<64x256xf32, #tpu.memory_space<vmem>>, vector<1x16xf32>,
          %get3A_151 = vector.shape_cast %get3A_150 : vector<1x16xf32> to vector<16xf32>
          %mul3A_152 = arith.mulf %get3A_147, %get3A_93 : vector<16xf32>
          %mul3A_153 = arith.mulf %mul3A_111, %get3A_151 : vector<16xf32>
          %add3A_154 = arith.addf %mul3A_152, %mul3A_153 : vector<16xf32>
          %swap3A_155 = arith.index_cast %add3A_86 : i32 to index
          %swap3A_156 = arith.constant 96 : index
          %swap3A_157 = tpu.vector_load %arg10[%swap3A_155, %swap3A_156] {strides = array<i32>} : memref<64x128xf32, #tpu.memory_space<vmem>>, vector<1x16xf32>,
          %swap3A_158 = vector.shape_cast %swap3A_157 : vector<1x16xf32> to vector<16xf32>
          %swap3A_159 = vector.shape_cast %add3A_154 : vector<16xf32> to vector<1x16xf32>
          tpu.vector_store %arg10[%swap3A_155, %swap3A_156], %swap3A_159 {strides = array<i32>} : memref<64x128xf32, #tpu.memory_space<vmem>>, vector<1x16xf32>,
          %get3A_160 = arith.index_cast %add3A_86 : i32 to index
          %get3A_161 = arith.constant 16 : index
          %get3A_162 = tpu.vector_load %arg9[%get3A_160, %get3A_161] {strides = array<i32>} : memref<64x256xf32, #tpu.memory_space<vmem>>, vector<1x16xf32>,
          %get3A_163 = vector.shape_cast %get3A_162 : vector<1x16xf32> to vector<16xf32>
          %get3A_164 = arith.index_cast %add3A_86 : i32 to index
          %get3A_165 = arith.constant 48 : index
          %get3A_166 = tpu.vector_load %arg9[%get3A_164, %get3A_165] {strides = array<i32>} : memref<64x256xf32, #tpu.memory_space<vmem>>, vector<1x16xf32>,
          %get3A_167 = vector.shape_cast %get3A_166 : vector<1x16xf32> to vector<16xf32>
          %get3A_168 = arith.index_cast %add3A_86 : i32 to index
          %get3A_169 = arith.constant 80 : index
          %get3A_170 = tpu.vector_load %arg9[%get3A_168, %get3A_169] {strides = array<i32>} : memref<64x256xf32, #tpu.memory_space<vmem>>, vector<1x16xf32>,
          %get3A_171 = vector.shape_cast %get3A_170 : vector<1x16xf32> to vector<16xf32>
          %get3A_172 = arith.index_cast %add3A_86 : i32 to index
          %get3A_173 = arith.constant 16 : index
          %get3A_174 = tpu.vector_load %arg8[%get3A_172, %get3A_173] {strides = array<i32>} : memref<64x160xf32, #tpu.memory_space<vmem>>, vector<1x16xf32>,
          %get3A_175 = vector.shape_cast %get3A_174 : vector<1x16xf32> to vector<16xf32>
          %mul3A_176 = arith.mulf %get3A_175, %get3A_163 : vector<16xf32>
          %swap3A_177 = arith.index_cast %add3A_86 : i32 to index
          %swap3A_178 = arith.constant 16 : index
          %swap3A_179 = tpu.vector_load %arg10[%swap3A_177, %swap3A_178] {strides = array<i32>} : memref<64x128xf32, #tpu.memory_space<vmem>>, vector<1x16xf32>,
          %swap3A_180 = vector.shape_cast %swap3A_179 : vector<1x16xf32> to vector<16xf32>
          %swap3A_181 = vector.shape_cast %mul3A_176 : vector<16xf32> to vector<1x16xf32>
          tpu.vector_store %arg10[%swap3A_177, %swap3A_178], %swap3A_181 {strides = array<i32>} : memref<64x128xf32, #tpu.memory_space<vmem>>, vector<1x16xf32>,
          %get3A_182 = arith.index_cast %add3A_86 : i32 to index
          %get3A_183 = arith.constant 144 : index
          %get3A_184 = tpu.vector_load %arg8[%get3A_182, %get3A_183] {strides = array<i32>} : memref<64x160xf32, #tpu.memory_space<vmem>>, vector<1x16xf32>,
          %get3A_185 = vector.shape_cast %get3A_184 : vector<1x16xf32> to vector<16xf32>
          %mul3A_186 = arith.mulf %get3A_185, %get3A_171 : vector<16xf32>
          %get3A_187 = arith.index_cast %add3A_86 : i32 to index
          %get3A_188 = arith.constant 48 : index
          %get3A_189 = tpu.vector_load %arg8[%get3A_187, %get3A_188] {strides = array<i32>} : memref<64x160xf32, #tpu.memory_space<vmem>>, vector<1x16xf32>,
          %get3A_190 = vector.shape_cast %get3A_189 : vector<1x16xf32> to vector<16xf32>
          %get3A_191 = arith.index_cast %add3A_86 : i32 to index
          %get3A_192 = arith.constant 112 : index
          %get3A_193 = tpu.vector_load %arg9[%get3A_191, %get3A_192] {strides = array<i32>} : memref<64x256xf32, #tpu.memory_space<vmem>>, vector<1x16xf32>,
          %get3A_194 = vector.shape_cast %get3A_193 : vector<1x16xf32> to vector<16xf32>
          %mul3A_195 = arith.mulf %get3A_190, %get3A_167 : vector<16xf32>
          %mul3A_196 = arith.mulf %mul3A_186, %get3A_194 : vector<16xf32>
          %add3A_197 = arith.addf %mul3A_195, %mul3A_196 : vector<16xf32>
          %swap3A_198 = arith.index_cast %add3A_86 : i32 to index
          %swap3A_199 = arith.constant 48 : index
          %swap3A_200 = tpu.vector_load %arg10[%swap3A_198, %swap3A_199] {strides = array<i32>} : memref<64x128xf32, #tpu.memory_space<vmem>>, vector<1x16xf32>,
          %swap3A_201 = vector.shape_cast %swap3A_200 : vector<1x16xf32> to vector<16xf32>
          %swap3A_202 = vector.shape_cast %add3A_197 : vector<16xf32> to vector<1x16xf32>
          tpu.vector_store %arg10[%swap3A_198, %swap3A_199], %swap3A_202 {strides = array<i32>} : memref<64x128xf32, #tpu.memory_space<vmem>>, vector<1x16xf32>,
          %get3A_203 = arith.index_cast %add3A_86 : i32 to index
          %get3A_204 = arith.constant 80 : index
          %get3A_205 = tpu.vector_load %arg8[%get3A_203, %get3A_204] {strides = array<i32>} : memref<64x160xf32, #tpu.memory_space<vmem>>, vector<1x16xf32>,
          %get3A_206 = vector.shape_cast %get3A_205 : vector<1x16xf32> to vector<16xf32>
          %get3A_207 = arith.index_cast %add3A_86 : i32 to index
          %get3A_208 = arith.constant 144 : index
          %get3A_209 = tpu.vector_load %arg9[%get3A_207, %get3A_208] {strides = array<i32>} : memref<64x256xf32, #tpu.memory_space<vmem>>, vector<1x16xf32>,
          %get3A_210 = vector.shape_cast %get3A_209 : vector<1x16xf32> to vector<16xf32>
          %mul3A_211 = arith.mulf %get3A_206, %get3A_167 : vector<16xf32>
          %mul3A_212 = arith.mulf %mul3A_186, %get3A_210 : vector<16xf32>
          %add3A_213 = arith.addf %mul3A_211, %mul3A_212 : vector<16xf32>
          %swap3A_214 = arith.index_cast %add3A_86 : i32 to index
          %swap3A_215 = arith.constant 80 : index
          %swap3A_216 = tpu.vector_load %arg10[%swap3A_214, %swap3A_215] {strides = array<i32>} : memref<64x128xf32, #tpu.memory_space<vmem>>, vector<1x16xf32>,
          %swap3A_217 = vector.shape_cast %swap3A_216 : vector<1x16xf32> to vector<16xf32>
          %swap3A_218 = vector.shape_cast %add3A_213 : vector<16xf32> to vector<1x16xf32>
          tpu.vector_store %arg10[%swap3A_214, %swap3A_215], %swap3A_218 {strides = array<i32>} : memref<64x128xf32, #tpu.memory_space<vmem>>, vector<1x16xf32>,
          %get3A_219 = arith.index_cast %add3A_86 : i32 to index
          %get3A_220 = arith.constant 112 : index
          %get3A_221 = tpu.vector_load %arg8[%get3A_219, %get3A_220] {strides = array<i32>} : memref<64x160xf32, #tpu.memory_space<vmem>>, vector<1x16xf32>,
          %get3A_222 = vector.shape_cast %get3A_221 : vector<1x16xf32> to vector<16xf32>
          %get3A_223 = arith.index_cast %add3A_86 : i32 to index
          %get3A_224 = arith.constant 176 : index
          %get3A_225 = tpu.vector_load %arg9[%get3A_223, %get3A_224] {strides = array<i32>} : memref<64x256xf32, #tpu.memory_space<vmem>>, vector<1x16xf32>,
          %get3A_226 = vector.shape_cast %get3A_225 : vector<1x16xf32> to vector<16xf32>
          %mul3A_227 = arith.mulf %get3A_222, %get3A_167 : vector<16xf32>
          %mul3A_228 = arith.mulf %mul3A_186, %get3A_226 : vector<16xf32>
          %add3A_229 = arith.addf %mul3A_227, %mul3A_228 : vector<16xf32>
          %swap3A_230 = arith.index_cast %add3A_86 : i32 to index
          %swap3A_231 = arith.constant 112 : index
          %swap3A_232 = tpu.vector_load %arg10[%swap3A_230, %swap3A_231] {strides = array<i32>} : memref<64x128xf32, #tpu.memory_space<vmem>>, vector<1x16xf32>,
          %swap3A_233 = vector.shape_cast %swap3A_232 : vector<1x16xf32> to vector<16xf32>
          %swap3A_234 = vector.shape_cast %add3A_229 : vector<16xf32> to vector<1x16xf32>
          tpu.vector_store %arg10[%swap3A_230, %swap3A_231], %swap3A_234 {strides = array<i32>} : memref<64x128xf32, #tpu.memory_space<vmem>>, vector<1x16xf32>,
        }
        %scan3A_80 = arith.constant 64 : i32
        %run_scoped3A_81 = arith.constant 0 : i32
        "tpu.region"() ({
          %run_scoped3A_82 = tpu.sem_alloc : memref<!tpu.dma_semaphore, #tpu.memory_space<semaphore_mem>>
          %dma_start3A = arith.constant 0 : i32
          %dma_start3A_83 = tpu.memref_slice %arg12[%run_scoped3A_81, %dma_start3A] : memref<1x64xi32, #tpu.memory_space<vmem>> -> memref<1x64xi32, #tpu.memory_space<vmem>>
          %dma_start3A_84 = tpu.memref_squeeze %dma_start3A_83 : memref<1x64xi32, #tpu.memory_space<vmem>> -> memref<64xi32, #tpu.memory_space<vmem>>
          %dma_start3A_85 = arith.constant 0 : i32
          %dma_start3A_86 = arith.constant 0 : i32
          %dma_start3A_87 = tpu.memref_slice %arg7[%dma_start3A_85, %dma_start3A_86] : memref<10000x128xf32, #tpu.memory_space<vmem_shared>> -> memref<10000x128xf32, #tpu.memory_space<vmem_shared>>
          tpu.enqueue_indirect_dma source(%arg10 : memref<64x128xf32, #tpu.memory_space<vmem>>) target(%dma_start3A_87 : memref<10000x128xf32, #tpu.memory_space<vmem_shared>>) offsets(%dma_start3A_84 : memref<64xi32, #tpu.memory_space<vmem>>) semaphore(%run_scoped3A_82 : memref<!tpu.dma_semaphore, #tpu.memory_space<semaphore_mem>>) {add = true}
          %dma_wait3A = arith.constant 0 : i32
          %dma_wait3A_88 = tpu.memref_slice %arg12[%run_scoped3A_81, %dma_wait3A] : memref<1x64xi32, #tpu.memory_space<vmem>> -> memref<1x64xi32, #tpu.memory_space<vmem>>
          %dma_wait3A_89 = tpu.memref_squeeze %dma_wait3A_88 : memref<1x64xi32, #tpu.memory_space<vmem>> -> memref<64xi32, #tpu.memory_space<vmem>>
          %dma_wait3A_90 = arith.constant 0 : i32
          %dma_wait3A_91 = arith.constant 0 : i32
          %dma_wait3A_92 = tpu.memref_slice %arg7[%dma_wait3A_90, %dma_wait3A_91] : memref<10000x128xf32, #tpu.memory_space<vmem_shared>> -> memref<10000x128xf32, #tpu.memory_space<vmem_shared>>
          tpu.wait_indirect_dma semaphore(%run_scoped3A_82 : memref<!tpu.dma_semaphore, #tpu.memory_space<semaphore_mem>>) src(%arg10 : memref<64x128xf32, #tpu.memory_space<vmem>>) dst(%dma_wait3A_92 : memref<10000x128xf32, #tpu.memory_space<vmem_shared>>)
          tpu.yield
        }) : () -> ()
      } else {
      }
    }
    %scan3A_45 = arith.constant 313 : i32
    %barrier3A_46 = arith.constant 0 : index
    tpu.barrier barrier_id(%barrier3A_46)
    %mul3A_47 = arith.constant 624 : i32
    %mul3A_48 = arith.muli %arg1, %mul3A_47 : i32
    %mul3A_49 = arith.constant 624 : i32
    %mul3A_50 = arith.muli %arg1, %mul3A_49 : i32
    "tpu.region"() ({
      %run_scoped3A = tpu.sem_alloc : memref<!tpu.dma_semaphore, #tpu.memory_space<semaphore_mem>>
      %dma_start3A = arith.constant 0 : i32
      %dma_start3A_57 = tpu.memref_slice %arg6[%add3A_28, %mul3A_50, %dma_start3A] : memref<4x10000x128xf32, #tpu.memory_space<hbm>> -> memref<1x624x128xf32, #tpu.memory_space<hbm>>
      %dma_start3A_58 = tpu.memref_squeeze %dma_start3A_57 : memref<1x624x128xf32, #tpu.memory_space<hbm>> -> memref<624x128xf32, #tpu.memory_space<hbm>>
      %dma_start3A_59 = arith.constant 0 : i32
      %dma_start3A_60 = tpu.memref_slice %arg7[%mul3A_48, %dma_start3A_59] : memref<10000x128xf32, #tpu.memory_space<vmem_shared>> -> memref<624x128xf32, #tpu.memory_space<vmem_shared>>
      tpu.enqueue_dma source(%dma_start3A_60 : memref<624x128xf32, #tpu.memory_space<vmem_shared>>) target(%dma_start3A_58 : memref<624x128xf32, #tpu.memory_space<hbm>>) target_semaphore(%run_scoped3A : memref<!tpu.dma_semaphore, #tpu.memory_space<semaphore_mem>>)
      %dma_wait3A = arith.constant 0 : i32
      %dma_wait3A_61 = tpu.memref_slice %arg6[%add3A_28, %mul3A_50, %dma_wait3A] : memref<4x10000x128xf32, #tpu.memory_space<hbm>> -> memref<1x624x128xf32, #tpu.memory_space<hbm>>
      %dma_wait3A_62 = tpu.memref_squeeze %dma_wait3A_61 : memref<1x624x128xf32, #tpu.memory_space<hbm>> -> memref<624x128xf32, #tpu.memory_space<hbm>>
      %dma_wait3A_63 = arith.constant 0 : i32
      %dma_wait3A_64 = tpu.memref_slice %arg7[%mul3A_48, %dma_wait3A_63] : memref<10000x128xf32, #tpu.memory_space<vmem_shared>> -> memref<624x128xf32, #tpu.memory_space<vmem_shared>>
      tpu.wait_dma2 semaphore(%run_scoped3A : memref<!tpu.dma_semaphore, #tpu.memory_space<semaphore_mem>>) src(%dma_wait3A_64 : memref<624x128xf32, #tpu.memory_space<vmem_shared>>) dst(%dma_wait3A_62 : memref<624x128xf32, #tpu.memory_space<hbm>>)
      tpu.yield
    }) : () -> ()
    %eq3A_51 = arith.constant 15 : i32
    %eq3A_52 = arith.cmpi eq, %arg1, %eq3A_51 : i32
    %convert_element_type3A_53 = arith.extui %eq3A_52 : i1 to i32
    %cond3A_54 = arith.constant 0 : i32
    %cond3A_55 = arith.cmpi ne, %convert_element_type3A_53, %cond3A_54 : i32
    scf.if %cond3A_55 {
      "tpu.region"() ({
        %run_scoped3A = tpu.sem_alloc : memref<!tpu.dma_semaphore, #tpu.memory_space<semaphore_mem>>
        %dma_start3A = arith.constant 9984 : i32
        %dma_start3A_57 = arith.constant 0 : i32
        %dma_start3A_58 = tpu.memref_slice %arg6[%add3A_28, %dma_start3A, %dma_start3A_57] : memref<4x10000x128xf32, #tpu.memory_space<hbm>> -> memref<1x16x128xf32, #tpu.memory_space<hbm>>
        %dma_start3A_59 = tpu.memref_squeeze %dma_start3A_58 : memref<1x16x128xf32, #tpu.memory_space<hbm>> -> memref<16x128xf32, #tpu.memory_space<hbm>>
        %dma_start3A_60 = arith.constant 9984 : i32
        %dma_start3A_61 = arith.constant 0 : i32
        %dma_start3A_62 = tpu.memref_slice %arg7[%dma_start3A_60, %dma_start3A_61] : memref<10000x128xf32, #tpu.memory_space<vmem_shared>> -> memref<16x128xf32, #tpu.memory_space<vmem_shared>>
        tpu.enqueue_dma source(%dma_start3A_62 : memref<16x128xf32, #tpu.memory_space<vmem_shared>>) target(%dma_start3A_59 : memref<16x128xf32, #tpu.memory_space<hbm>>) target_semaphore(%run_scoped3A : memref<!tpu.dma_semaphore, #tpu.memory_space<semaphore_mem>>)
        %dma_wait3A = arith.constant 9984 : i32
        %dma_wait3A_63 = arith.constant 0 : i32
        %dma_wait3A_64 = tpu.memref_slice %arg6[%add3A_28, %dma_wait3A, %dma_wait3A_63] : memref<4x10000x128xf32, #tpu.memory_space<hbm>> -> memref<1x16x128xf32, #tpu.memory_space<hbm>>
        %dma_wait3A_65 = tpu.memref_squeeze %dma_wait3A_64 : memref<1x16x128xf32, #tpu.memory_space<hbm>> -> memref<16x128xf32, #tpu.memory_space<hbm>>
        %dma_wait3A_66 = arith.constant 9984 : i32
        %dma_wait3A_67 = arith.constant 0 : i32
        %dma_wait3A_68 = tpu.memref_slice %arg7[%dma_wait3A_66, %dma_wait3A_67] : memref<10000x128xf32, #tpu.memory_space<vmem_shared>> -> memref<16x128xf32, #tpu.memory_space<vmem_shared>>
        tpu.wait_dma2 semaphore(%run_scoped3A : memref<!tpu.dma_semaphore, #tpu.memory_space<semaphore_mem>>) src(%dma_wait3A_68 : memref<16x128xf32, #tpu.memory_space<vmem_shared>>) dst(%dma_wait3A_65 : memref<16x128xf32, #tpu.memory_space<hbm>>)
        tpu.yield
      }) : () -> ()
    } else {
    }
    %barrier3A_56 = arith.constant 0 : index
    tpu.barrier barrier_id(%barrier3A_56)
    return
  }
}

module attributes {stable_mosaic.version = 14 : i64} {
  func.func @_edge_prep_kernel(%arg0: i32, %arg1: memref<2000x3xf32, #tpu.memory_space<vmem>>, %arg2: memref<20x384xf32, #tpu.memory_space<vmem>>, %arg3: memref<1x384xf32, #tpu.memory_space<vmem>>, %arg4: memref<4x2000x160xf32, #tpu.memory_space<vmem>>) attributes {dimension_semantics = [#tpu.dimension_semantics<arbitrary>], iteration_bounds = array<i64: 160>, scalar_prefetch = 0 : i64, scratch_operands = 0 : i64, tpu.core_type = #tpu.core_type<tc>, window_params = [{transform_indices = @transform_0, window_bounds = array<i64: 2000, 3>}, {pipeline_mode = #tpu.pipeline_mode<synchronous>, transform_indices = @transform_1, window_bounds = array<i64: 20, 384>}, {pipeline_mode = #tpu.pipeline_mode<synchronous>, transform_indices = @transform_2, window_bounds = array<i64: 1, 384>}, {transform_indices = @transform_3, window_bounds = array<i64: 4, 2000, 160>}]} {
    %get3A = arith.constant 0 : index
    %get3A_0 = arith.constant 0 : index
    %get3A_1 = vector.load %arg1[%get3A, %get3A_0] : memref<2000x3xf32, #tpu.memory_space<vmem>>, vector<2000x3xf32>
    %mul3A = arith.mulf %get3A_1, %get3A_1 : vector<2000x3xf32>
    %reduce_sum3A = arith.constant dense<0.000000e+00> : vector<2000xf32>
    %reduce_sum3A_2 = vector.multi_reduction <add>, %mul3A, %reduce_sum3A [1] : vector<2000x3xf32> to vector<2000xf32>
    %broadcast_in_dim3A = vector.shape_cast %reduce_sum3A_2 : vector<2000xf32> to vector<2000x1xf32>
    %sqrt3A = math.sqrt %broadcast_in_dim3A : vector<2000x1xf32>
    %div3A = arith.constant 1.000000e+00 : f32
    %div3A_3 = vector.broadcast %div3A : f32 to vector<2000x1xf32>
    %div3A_4 = arith.divf %div3A_3, %sqrt3A : vector<2000x1xf32>
    %mul3A_5 = vector.broadcast %div3A_4 : vector<2000x1xf32> to vector<2000x3xf32>
    %mul3A_6 = arith.mulf %get3A_1, %mul3A_5 : vector<2000x3xf32>
    %iota3A = tpu.iota {dimensions = array<i32: 1>} : vector<2000x20xi32>
    %convert_element_type3A = arith.sitofp %iota3A : vector<2000x20xi32> to vector<2000x20xf32>
    %add3A = arith.constant 1.000000e+00 : f32
    %add3A_7 = vector.broadcast %add3A : f32 to vector<2000x20xf32>
    %add3A_8 = arith.addf %convert_element_type3A, %add3A_7 : vector<2000x20xf32>
    %mul3A_9 = vector.broadcast %sqrt3A : vector<2000x1xf32> to vector<2000x20xf32>
    %mul3A_10 = arith.mulf %mul3A_9, %add3A_8 : vector<2000x20xf32>
    %mul3A_11 = arith.constant 0.628318548 : f32
    %mul3A_12 = vector.broadcast %mul3A_11 : f32 to vector<2000x20xf32>
    %mul3A_13 = arith.mulf %mul3A_10, %mul3A_12 : vector<2000x20xf32>
    %sin3A = math.sin %mul3A_13 : vector<2000x20xf32>
    %mul3A_14 = vector.broadcast %div3A_4 : vector<2000x1xf32> to vector<2000x20xf32>
    %mul3A_15 = arith.mulf %sin3A, %mul3A_14 : vector<2000x20xf32>
    %lt3A = arith.constant 5.000000e+00 : f32
    %lt3A_16 = vector.broadcast %lt3A : f32 to vector<2000x1xf32>
    %lt3A_17 = arith.cmpf olt, %sqrt3A, %lt3A_16 : vector<2000x1xf32>
    %mul3A_18 = arith.constant 0.628318548 : f32
    %mul3A_19 = vector.broadcast %mul3A_18 : f32 to vector<2000x1xf32>
    %mul3A_20 = arith.mulf %sqrt3A, %mul3A_19 : vector<2000x1xf32>
    %cos3A = math.cos %mul3A_20 : vector<2000x1xf32>
    %add3A_21 = arith.constant 1.000000e+00 : f32
    %add3A_22 = vector.broadcast %add3A_21 : f32 to vector<2000x1xf32>
    %add3A_23 = arith.addf %cos3A, %add3A_22 : vector<2000x1xf32>
    %mul3A_24 = arith.constant 5.000000e-01 : f32
    %mul3A_25 = vector.broadcast %mul3A_24 : f32 to vector<2000x1xf32>
    %mul3A_26 = arith.mulf %mul3A_25, %add3A_23 : vector<2000x1xf32>
    %jit3A = arith.constant 0.000000e+00 : f32
    %broadcast_in_dim3A_27 = vector.broadcast %jit3A : f32 to vector<2000x1xf32>
    %select_n3A = arith.select %lt3A_17, %mul3A_26, %broadcast_in_dim3A_27 : vector<2000x1xi1>, vector<2000x1xf32>
    %get3A_28 = arith.constant 0 : index
    %get3A_29 = arith.constant 0 : index
    %get3A_30 = vector.load %arg2[%get3A_28, %get3A_29] : memref<20x384xf32, #tpu.memory_space<vmem>>, vector<20x384xf32>
    %dot_general3A = arith.constant dense<0.000000e+00> : vector<2000x384xf32>
    %dot_general3A_31 = tpu.matmul %mul3A_15, %get3A_30, %dot_general3A {dimension_numbers = #tpu.dot_dimension_numbers<[1], [0], [0], [1], [0, 0, 1, 1], [], []>, transpose_lhs_hint = false} : vector<2000x20xf32>, vector<20x384xf32>, vector<2000x384xf32> -> vector<2000x384xf32>
    %get3A_32 = arith.constant 0 : index
    %get3A_33 = arith.constant 0 : index
    %get3A_34 = vector.load %arg3[%get3A_32, %get3A_33] : memref<1x384xf32, #tpu.memory_space<vmem>>, vector<1x384xf32>
    %add3A_35 = vector.broadcast %get3A_34 : vector<1x384xf32> to vector<2000x384xf32>
    %add3A_36 = arith.addf %dot_general3A_31, %add3A_35 : vector<2000x384xf32>
    %mul3A_37 = vector.broadcast %select_n3A : vector<2000x1xf32> to vector<2000x384xf32>
    %mul3A_38 = arith.mulf %add3A_36, %mul3A_37 : vector<2000x384xf32>
    %slice3A = vector.extract_strided_slice %mul3A_38 {offsets = [0, 0], sizes = [2000, 32], strides = [1, 1]} : vector<2000x384xf32> to vector<2000x32xf32>
    %swap3A = arith.constant 0 : index
    %swap3A_39 = arith.constant 0 : index
    %swap3A_40 = arith.constant 0 : index
    %swap3A_41 = vector.load %arg4[%swap3A, %swap3A_39, %swap3A_40] : memref<4x2000x160xf32, #tpu.memory_space<vmem>>, vector<1x2000x32xf32>
    %swap3A_42 = vector.shape_cast %swap3A_41 : vector<1x2000x32xf32> to vector<2000x32xf32>
    %swap3A_43 = vector.shape_cast %slice3A : vector<2000x32xf32> to vector<1x2000x32xf32>
    tpu.vector_store %arg4[%swap3A, %swap3A_39, %swap3A_40], %swap3A_43 {strides = array<i32>} : memref<4x2000x160xf32, #tpu.memory_space<vmem>>, vector<1x2000x32xf32>,
    %slice3A_44 = vector.extract_strided_slice %mul3A_38 {offsets = [0, 128], sizes = [2000, 32], strides = [1, 1]} : vector<2000x384xf32> to vector<2000x32xf32>
    %slice3A_45 = vector.extract_strided_slice %mul3A_6 {offsets = [0, 0], sizes = [2000, 1], strides = [1, 1]} : vector<2000x3xf32> to vector<2000x1xf32>
    %mul3A_46 = vector.broadcast %slice3A_45 : vector<2000x1xf32> to vector<2000x32xf32>
    %mul3A_47 = arith.mulf %slice3A_44, %mul3A_46 : vector<2000x32xf32>
    %swap3A_48 = arith.constant 0 : index
    %swap3A_49 = arith.constant 0 : index
    %swap3A_50 = arith.constant 32 : index
    %swap3A_51 = vector.load %arg4[%swap3A_48, %swap3A_49, %swap3A_50] : memref<4x2000x160xf32, #tpu.memory_space<vmem>>, vector<1x2000x32xf32>
    %swap3A_52 = vector.shape_cast %swap3A_51 : vector<1x2000x32xf32> to vector<2000x32xf32>
    %swap3A_53 = vector.shape_cast %mul3A_47 : vector<2000x32xf32> to vector<1x2000x32xf32>
    tpu.vector_store %arg4[%swap3A_48, %swap3A_49, %swap3A_50], %swap3A_53 {strides = array<i32>} : memref<4x2000x160xf32, #tpu.memory_space<vmem>>, vector<1x2000x32xf32>,
    %slice3A_54 = vector.extract_strided_slice %mul3A_6 {offsets = [0, 1], sizes = [2000, 1], strides = [1, 1]} : vector<2000x3xf32> to vector<2000x1xf32>
    %mul3A_55 = vector.broadcast %slice3A_54 : vector<2000x1xf32> to vector<2000x32xf32>
    %mul3A_56 = arith.mulf %slice3A_44, %mul3A_55 : vector<2000x32xf32>
    %swap3A_57 = arith.constant 0 : index
    %swap3A_58 = arith.constant 0 : index
    %swap3A_59 = arith.constant 64 : index
    %swap3A_60 = vector.load %arg4[%swap3A_57, %swap3A_58, %swap3A_59] : memref<4x2000x160xf32, #tpu.memory_space<vmem>>, vector<1x2000x32xf32>
    %swap3A_61 = vector.shape_cast %swap3A_60 : vector<1x2000x32xf32> to vector<2000x32xf32>
    %swap3A_62 = vector.shape_cast %mul3A_56 : vector<2000x32xf32> to vector<1x2000x32xf32>
    tpu.vector_store %arg4[%swap3A_57, %swap3A_58, %swap3A_59], %swap3A_62 {strides = array<i32>} : memref<4x2000x160xf32, #tpu.memory_space<vmem>>, vector<1x2000x32xf32>,
    %slice3A_63 = vector.extract_strided_slice %mul3A_6 {offsets = [0, 2], sizes = [2000, 1], strides = [1, 1]} : vector<2000x3xf32> to vector<2000x1xf32>
    %mul3A_64 = vector.broadcast %slice3A_63 : vector<2000x1xf32> to vector<2000x32xf32>
    %mul3A_65 = arith.mulf %slice3A_44, %mul3A_64 : vector<2000x32xf32>
    %swap3A_66 = arith.constant 0 : index
    %swap3A_67 = arith.constant 0 : index
    %swap3A_68 = arith.constant 96 : index
    %swap3A_69 = vector.load %arg4[%swap3A_66, %swap3A_67, %swap3A_68] : memref<4x2000x160xf32, #tpu.memory_space<vmem>>, vector<1x2000x32xf32>
    %swap3A_70 = vector.shape_cast %swap3A_69 : vector<1x2000x32xf32> to vector<2000x32xf32>
    %swap3A_71 = vector.shape_cast %mul3A_65 : vector<2000x32xf32> to vector<1x2000x32xf32>
    tpu.vector_store %arg4[%swap3A_66, %swap3A_67, %swap3A_68], %swap3A_71 {strides = array<i32>} : memref<4x2000x160xf32, #tpu.memory_space<vmem>>, vector<1x2000x32xf32>,
    %slice3A_72 = vector.extract_strided_slice %mul3A_38 {offsets = [0, 256], sizes = [2000, 32], strides = [1, 1]} : vector<2000x384xf32> to vector<2000x32xf32>
    %swap3A_73 = arith.constant 0 : index
    %swap3A_74 = arith.constant 0 : index
    %swap3A_75 = arith.constant 128 : index
    %swap3A_76 = vector.load %arg4[%swap3A_73, %swap3A_74, %swap3A_75] : memref<4x2000x160xf32, #tpu.memory_space<vmem>>, vector<1x2000x32xf32>
    %swap3A_77 = vector.shape_cast %swap3A_76 : vector<1x2000x32xf32> to vector<2000x32xf32>
    %swap3A_78 = vector.shape_cast %slice3A_72 : vector<2000x32xf32> to vector<1x2000x32xf32>
    tpu.vector_store %arg4[%swap3A_73, %swap3A_74, %swap3A_75], %swap3A_78 {strides = array<i32>} : memref<4x2000x160xf32, #tpu.memory_space<vmem>>, vector<1x2000x32xf32>,
    %slice3A_79 = vector.extract_strided_slice %mul3A_38 {offsets = [0, 32], sizes = [2000, 32], strides = [1, 1]} : vector<2000x384xf32> to vector<2000x32xf32>
    %swap3A_80 = arith.constant 1 : index
    %swap3A_81 = arith.constant 0 : index
    %swap3A_82 = arith.constant 0 : index
    %swap3A_83 = vector.load %arg4[%swap3A_80, %swap3A_81, %swap3A_82] : memref<4x2000x160xf32, #tpu.memory_space<vmem>>, vector<1x2000x32xf32>
    %swap3A_84 = vector.shape_cast %swap3A_83 : vector<1x2000x32xf32> to vector<2000x32xf32>
    %swap3A_85 = vector.shape_cast %slice3A_79 : vector<2000x32xf32> to vector<1x2000x32xf32>
    tpu.vector_store %arg4[%swap3A_80, %swap3A_81, %swap3A_82], %swap3A_85 {strides = array<i32>} : memref<4x2000x160xf32, #tpu.memory_space<vmem>>, vector<1x2000x32xf32>,
    %slice3A_86 = vector.extract_strided_slice %mul3A_38 {offsets = [0, 160], sizes = [2000, 32], strides = [1, 1]} : vector<2000x384xf32> to vector<2000x32xf32>
    %slice3A_87 = vector.extract_strided_slice %mul3A_6 {offsets = [0, 0], sizes = [2000, 1], strides = [1, 1]} : vector<2000x3xf32> to vector<2000x1xf32>
    %mul3A_88 = vector.broadcast %slice3A_87 : vector<2000x1xf32> to vector<2000x32xf32>
    %mul3A_89 = arith.mulf %slice3A_86, %mul3A_88 : vector<2000x32xf32>
    %swap3A_90 = arith.constant 1 : index
    %swap3A_91 = arith.constant 0 : index
    %swap3A_92 = arith.constant 32 : index
    %swap3A_93 = vector.load %arg4[%swap3A_90, %swap3A_91, %swap3A_92] : memref<4x2000x160xf32, #tpu.memory_space<vmem>>, vector<1x2000x32xf32>
    %swap3A_94 = vector.shape_cast %swap3A_93 : vector<1x2000x32xf32> to vector<2000x32xf32>
    %swap3A_95 = vector.shape_cast %mul3A_89 : vector<2000x32xf32> to vector<1x2000x32xf32>
    tpu.vector_store %arg4[%swap3A_90, %swap3A_91, %swap3A_92], %swap3A_95 {strides = array<i32>} : memref<4x2000x160xf32, #tpu.memory_space<vmem>>, vector<1x2000x32xf32>,
    %slice3A_96 = vector.extract_strided_slice %mul3A_6 {offsets = [0, 1], sizes = [2000, 1], strides = [1, 1]} : vector<2000x3xf32> to vector<2000x1xf32>
    %mul3A_97 = vector.broadcast %slice3A_96 : vector<2000x1xf32> to vector<2000x32xf32>
    %mul3A_98 = arith.mulf %slice3A_86, %mul3A_97 : vector<2000x32xf32>
    %swap3A_99 = arith.constant 1 : index
    %swap3A_100 = arith.constant 0 : index
    %swap3A_101 = arith.constant 64 : index
    %swap3A_102 = vector.load %arg4[%swap3A_99, %swap3A_100, %swap3A_101] : memref<4x2000x160xf32, #tpu.memory_space<vmem>>, vector<1x2000x32xf32>
    %swap3A_103 = vector.shape_cast %swap3A_102 : vector<1x2000x32xf32> to vector<2000x32xf32>
    %swap3A_104 = vector.shape_cast %mul3A_98 : vector<2000x32xf32> to vector<1x2000x32xf32>
    tpu.vector_store %arg4[%swap3A_99, %swap3A_100, %swap3A_101], %swap3A_104 {strides = array<i32>} : memref<4x2000x160xf32, #tpu.memory_space<vmem>>, vector<1x2000x32xf32>,
    %slice3A_105 = vector.extract_strided_slice %mul3A_6 {offsets = [0, 2], sizes = [2000, 1], strides = [1, 1]} : vector<2000x3xf32> to vector<2000x1xf32>
    %mul3A_106 = vector.broadcast %slice3A_105 : vector<2000x1xf32> to vector<2000x32xf32>
    %mul3A_107 = arith.mulf %slice3A_86, %mul3A_106 : vector<2000x32xf32>
    %swap3A_108 = arith.constant 1 : index
    %swap3A_109 = arith.constant 0 : index
    %swap3A_110 = arith.constant 96 : index
    %swap3A_111 = vector.load %arg4[%swap3A_108, %swap3A_109, %swap3A_110] : memref<4x2000x160xf32, #tpu.memory_space<vmem>>, vector<1x2000x32xf32>
    %swap3A_112 = vector.shape_cast %swap3A_111 : vector<1x2000x32xf32> to vector<2000x32xf32>
    %swap3A_113 = vector.shape_cast %mul3A_107 : vector<2000x32xf32> to vector<1x2000x32xf32>
    tpu.vector_store %arg4[%swap3A_108, %swap3A_109, %swap3A_110], %swap3A_113 {strides = array<i32>} : memref<4x2000x160xf32, #tpu.memory_space<vmem>>, vector<1x2000x32xf32>,
    %slice3A_114 = vector.extract_strided_slice %mul3A_38 {offsets = [0, 288], sizes = [2000, 32], strides = [1, 1]} : vector<2000x384xf32> to vector<2000x32xf32>
    %swap3A_115 = arith.constant 1 : index
    %swap3A_116 = arith.constant 0 : index
    %swap3A_117 = arith.constant 128 : index
    %swap3A_118 = vector.load %arg4[%swap3A_115, %swap3A_116, %swap3A_117] : memref<4x2000x160xf32, #tpu.memory_space<vmem>>, vector<1x2000x32xf32>
    %swap3A_119 = vector.shape_cast %swap3A_118 : vector<1x2000x32xf32> to vector<2000x32xf32>
    %swap3A_120 = vector.shape_cast %slice3A_114 : vector<2000x32xf32> to vector<1x2000x32xf32>
    tpu.vector_store %arg4[%swap3A_115, %swap3A_116, %swap3A_117], %swap3A_120 {strides = array<i32>} : memref<4x2000x160xf32, #tpu.memory_space<vmem>>, vector<1x2000x32xf32>,
    %slice3A_121 = vector.extract_strided_slice %mul3A_38 {offsets = [0, 64], sizes = [2000, 32], strides = [1, 1]} : vector<2000x384xf32> to vector<2000x32xf32>
    %swap3A_122 = arith.constant 2 : index
    %swap3A_123 = arith.constant 0 : index
    %swap3A_124 = arith.constant 0 : index
    %swap3A_125 = vector.load %arg4[%swap3A_122, %swap3A_123, %swap3A_124] : memref<4x2000x160xf32, #tpu.memory_space<vmem>>, vector<1x2000x32xf32>
    %swap3A_126 = vector.shape_cast %swap3A_125 : vector<1x2000x32xf32> to vector<2000x32xf32>
    %swap3A_127 = vector.shape_cast %slice3A_121 : vector<2000x32xf32> to vector<1x2000x32xf32>
    tpu.vector_store %arg4[%swap3A_122, %swap3A_123, %swap3A_124], %swap3A_127 {strides = array<i32>} : memref<4x2000x160xf32, #tpu.memory_space<vmem>>, vector<1x2000x32xf32>,
    %slice3A_128 = vector.extract_strided_slice %mul3A_38 {offsets = [0, 192], sizes = [2000, 32], strides = [1, 1]} : vector<2000x384xf32> to vector<2000x32xf32>
    %slice3A_129 = vector.extract_strided_slice %mul3A_6 {offsets = [0, 0], sizes = [2000, 1], strides = [1, 1]} : vector<2000x3xf32> to vector<2000x1xf32>
    %mul3A_130 = vector.broadcast %slice3A_129 : vector<2000x1xf32> to vector<2000x32xf32>
    %mul3A_131 = arith.mulf %slice3A_128, %mul3A_130 : vector<2000x32xf32>
    %swap3A_132 = arith.constant 2 : index
    %swap3A_133 = arith.constant 0 : index
    %swap3A_134 = arith.constant 32 : index
    %swap3A_135 = vector.load %arg4[%swap3A_132, %swap3A_133, %swap3A_134] : memref<4x2000x160xf32, #tpu.memory_space<vmem>>, vector<1x2000x32xf32>
    %swap3A_136 = vector.shape_cast %swap3A_135 : vector<1x2000x32xf32> to vector<2000x32xf32>
    %swap3A_137 = vector.shape_cast %mul3A_131 : vector<2000x32xf32> to vector<1x2000x32xf32>
    tpu.vector_store %arg4[%swap3A_132, %swap3A_133, %swap3A_134], %swap3A_137 {strides = array<i32>} : memref<4x2000x160xf32, #tpu.memory_space<vmem>>, vector<1x2000x32xf32>,
    %slice3A_138 = vector.extract_strided_slice %mul3A_6 {offsets = [0, 1], sizes = [2000, 1], strides = [1, 1]} : vector<2000x3xf32> to vector<2000x1xf32>
    %mul3A_139 = vector.broadcast %slice3A_138 : vector<2000x1xf32> to vector<2000x32xf32>
    %mul3A_140 = arith.mulf %slice3A_128, %mul3A_139 : vector<2000x32xf32>
    %swap3A_141 = arith.constant 2 : index
    %swap3A_142 = arith.constant 0 : index
    %swap3A_143 = arith.constant 64 : index
    %swap3A_144 = vector.load %arg4[%swap3A_141, %swap3A_142, %swap3A_143] : memref<4x2000x160xf32, #tpu.memory_space<vmem>>, vector<1x2000x32xf32>
    %swap3A_145 = vector.shape_cast %swap3A_144 : vector<1x2000x32xf32> to vector<2000x32xf32>
    %swap3A_146 = vector.shape_cast %mul3A_140 : vector<2000x32xf32> to vector<1x2000x32xf32>
    tpu.vector_store %arg4[%swap3A_141, %swap3A_142, %swap3A_143], %swap3A_146 {strides = array<i32>} : memref<4x2000x160xf32, #tpu.memory_space<vmem>>, vector<1x2000x32xf32>,
    %slice3A_147 = vector.extract_strided_slice %mul3A_6 {offsets = [0, 2], sizes = [2000, 1], strides = [1, 1]} : vector<2000x3xf32> to vector<2000x1xf32>
    %mul3A_148 = vector.broadcast %slice3A_147 : vector<2000x1xf32> to vector<2000x32xf32>
    %mul3A_149 = arith.mulf %slice3A_128, %mul3A_148 : vector<2000x32xf32>
    %swap3A_150 = arith.constant 2 : index
    %swap3A_151 = arith.constant 0 : index
    %swap3A_152 = arith.constant 96 : index
    %swap3A_153 = vector.load %arg4[%swap3A_150, %swap3A_151, %swap3A_152] : memref<4x2000x160xf32, #tpu.memory_space<vmem>>, vector<1x2000x32xf32>
    %swap3A_154 = vector.shape_cast %swap3A_153 : vector<1x2000x32xf32> to vector<2000x32xf32>
    %swap3A_155 = vector.shape_cast %mul3A_149 : vector<2000x32xf32> to vector<1x2000x32xf32>
    tpu.vector_store %arg4[%swap3A_150, %swap3A_151, %swap3A_152], %swap3A_155 {strides = array<i32>} : memref<4x2000x160xf32, #tpu.memory_space<vmem>>, vector<1x2000x32xf32>,
    %slice3A_156 = vector.extract_strided_slice %mul3A_38 {offsets = [0, 320], sizes = [2000, 32], strides = [1, 1]} : vector<2000x384xf32> to vector<2000x32xf32>
    %swap3A_157 = arith.constant 2 : index
    %swap3A_158 = arith.constant 0 : index
    %swap3A_159 = arith.constant 128 : index
    %swap3A_160 = vector.load %arg4[%swap3A_157, %swap3A_158, %swap3A_159] : memref<4x2000x160xf32, #tpu.memory_space<vmem>>, vector<1x2000x32xf32>
    %swap3A_161 = vector.shape_cast %swap3A_160 : vector<1x2000x32xf32> to vector<2000x32xf32>
    %swap3A_162 = vector.shape_cast %slice3A_156 : vector<2000x32xf32> to vector<1x2000x32xf32>
    tpu.vector_store %arg4[%swap3A_157, %swap3A_158, %swap3A_159], %swap3A_162 {strides = array<i32>} : memref<4x2000x160xf32, #tpu.memory_space<vmem>>, vector<1x2000x32xf32>,
    %slice3A_163 = vector.extract_strided_slice %mul3A_38 {offsets = [0, 96], sizes = [2000, 32], strides = [1, 1]} : vector<2000x384xf32> to vector<2000x32xf32>
    %swap3A_164 = arith.constant 3 : index
    %swap3A_165 = arith.constant 0 : index
    %swap3A_166 = arith.constant 0 : index
    %swap3A_167 = vector.load %arg4[%swap3A_164, %swap3A_165, %swap3A_166] : memref<4x2000x160xf32, #tpu.memory_space<vmem>>, vector<1x2000x32xf32>
    %swap3A_168 = vector.shape_cast %swap3A_167 : vector<1x2000x32xf32> to vector<2000x32xf32>
    %swap3A_169 = vector.shape_cast %slice3A_163 : vector<2000x32xf32> to vector<1x2000x32xf32>
    tpu.vector_store %arg4[%swap3A_164, %swap3A_165, %swap3A_166], %swap3A_169 {strides = array<i32>} : memref<4x2000x160xf32, #tpu.memory_space<vmem>>, vector<1x2000x32xf32>,
    %slice3A_170 = vector.extract_strided_slice %mul3A_38 {offsets = [0, 224], sizes = [2000, 32], strides = [1, 1]} : vector<2000x384xf32> to vector<2000x32xf32>
    %slice3A_171 = vector.extract_strided_slice %mul3A_6 {offsets = [0, 0], sizes = [2000, 1], strides = [1, 1]} : vector<2000x3xf32> to vector<2000x1xf32>
    %mul3A_172 = vector.broadcast %slice3A_171 : vector<2000x1xf32> to vector<2000x32xf32>
    %mul3A_173 = arith.mulf %slice3A_170, %mul3A_172 : vector<2000x32xf32>
    %swap3A_174 = arith.constant 3 : index
    %swap3A_175 = arith.constant 0 : index
    %swap3A_176 = arith.constant 32 : index
    %swap3A_177 = vector.load %arg4[%swap3A_174, %swap3A_175, %swap3A_176] : memref<4x2000x160xf32, #tpu.memory_space<vmem>>, vector<1x2000x32xf32>
    %swap3A_178 = vector.shape_cast %swap3A_177 : vector<1x2000x32xf32> to vector<2000x32xf32>
    %swap3A_179 = vector.shape_cast %mul3A_173 : vector<2000x32xf32> to vector<1x2000x32xf32>
    tpu.vector_store %arg4[%swap3A_174, %swap3A_175, %swap3A_176], %swap3A_179 {strides = array<i32>} : memref<4x2000x160xf32, #tpu.memory_space<vmem>>, vector<1x2000x32xf32>,
    %slice3A_180 = vector.extract_strided_slice %mul3A_6 {offsets = [0, 1], sizes = [2000, 1], strides = [1, 1]} : vector<2000x3xf32> to vector<2000x1xf32>
    %mul3A_181 = vector.broadcast %slice3A_180 : vector<2000x1xf32> to vector<2000x32xf32>
    %mul3A_182 = arith.mulf %slice3A_170, %mul3A_181 : vector<2000x32xf32>
    %swap3A_183 = arith.constant 3 : index
    %swap3A_184 = arith.constant 0 : index
    %swap3A_185 = arith.constant 64 : index
    %swap3A_186 = vector.load %arg4[%swap3A_183, %swap3A_184, %swap3A_185] : memref<4x2000x160xf32, #tpu.memory_space<vmem>>, vector<1x2000x32xf32>
    %swap3A_187 = vector.shape_cast %swap3A_186 : vector<1x2000x32xf32> to vector<2000x32xf32>
    %swap3A_188 = vector.shape_cast %mul3A_182 : vector<2000x32xf32> to vector<1x2000x32xf32>
    tpu.vector_store %arg4[%swap3A_183, %swap3A_184, %swap3A_185], %swap3A_188 {strides = array<i32>} : memref<4x2000x160xf32, #tpu.memory_space<vmem>>, vector<1x2000x32xf32>,
    %slice3A_189 = vector.extract_strided_slice %mul3A_6 {offsets = [0, 2], sizes = [2000, 1], strides = [1, 1]} : vector<2000x3xf32> to vector<2000x1xf32>
    %mul3A_190 = vector.broadcast %slice3A_189 : vector<2000x1xf32> to vector<2000x32xf32>
    %mul3A_191 = arith.mulf %slice3A_170, %mul3A_190 : vector<2000x32xf32>
    %swap3A_192 = arith.constant 3 : index
    %swap3A_193 = arith.constant 0 : index
    %swap3A_194 = arith.constant 96 : index
    %swap3A_195 = vector.load %arg4[%swap3A_192, %swap3A_193, %swap3A_194] : memref<4x2000x160xf32, #tpu.memory_space<vmem>>, vector<1x2000x32xf32>
    %swap3A_196 = vector.shape_cast %swap3A_195 : vector<1x2000x32xf32> to vector<2000x32xf32>
    %swap3A_197 = vector.shape_cast %mul3A_191 : vector<2000x32xf32> to vector<1x2000x32xf32>
    tpu.vector_store %arg4[%swap3A_192, %swap3A_193, %swap3A_194], %swap3A_197 {strides = array<i32>} : memref<4x2000x160xf32, #tpu.memory_space<vmem>>, vector<1x2000x32xf32>,
    %slice3A_198 = vector.extract_strided_slice %mul3A_38 {offsets = [0, 352], sizes = [2000, 32], strides = [1, 1]} : vector<2000x384xf32> to vector<2000x32xf32>
    %swap3A_199 = arith.constant 3 : index
    %swap3A_200 = arith.constant 0 : index
    %swap3A_201 = arith.constant 128 : index
    %swap3A_202 = vector.load %arg4[%swap3A_199, %swap3A_200, %swap3A_201] : memref<4x2000x160xf32, #tpu.memory_space<vmem>>, vector<1x2000x32xf32>
    %swap3A_203 = vector.shape_cast %swap3A_202 : vector<1x2000x32xf32> to vector<2000x32xf32>
    %swap3A_204 = vector.shape_cast %slice3A_198 : vector<2000x32xf32> to vector<1x2000x32xf32>
    tpu.vector_store %arg4[%swap3A_199, %swap3A_200, %swap3A_201], %swap3A_204 {strides = array<i32>} : memref<4x2000x160xf32, #tpu.memory_space<vmem>>, vector<1x2000x32xf32>,
    return
  }
  func.func @transform_0(%arg0: i32) -> (i32, i32) {
    %c0_i32 = arith.constant 0 : i32
    %c0_i32_0 = arith.constant 0 : i32
    return %arg0, %c0_i32 : i32, i32
  }
  func.func @transform_1(%arg0: i32) -> (i32, i32) {
    %c0_i32 = arith.constant 0 : i32
    %c0_i32_0 = arith.constant 0 : i32
    %c0_i32_1 = arith.constant 0 : i32
    return %c0_i32, %c0_i32_0 : i32, i32
  }
  func.func @transform_2(%arg0: i32) -> (i32, i32) {
    %c0_i32 = arith.constant 0 : i32
    %c0_i32_0 = arith.constant 0 : i32
    %c0_i32_1 = arith.constant 0 : i32
    return %c0_i32, %c0_i32_0 : i32, i32
  }
  func.func @transform_3(%arg0: i32) -> (i32, i32, i32) {
    %c0_i32 = arith.constant 0 : i32
    %c0_i32_0 = arith.constant 0 : i32
    %c0_i32_1 = arith.constant 0 : i32
    return %c0_i32, %arg0, %c0_i32_0 : i32, i32, i32
  }
}

module attributes {stable_mosaic.version = 14 : i64} {
  func.func @_node_prep_kernel(%arg0: i32, %arg1: memref<400x128xf32, #tpu.memory_space<vmem>>, %arg2: memref<400x384xf32, #tpu.memory_space<vmem>>, %arg3: memref<128x128xf32, #tpu.memory_space<vmem>>, %arg4: memref<1x128xf32, #tpu.memory_space<vmem>>, %arg5: memref<128x384xf32, #tpu.memory_space<vmem>>, %arg6: memref<1x384xf32, #tpu.memory_space<vmem>>, %arg7: memref<4x400x256xf32, #tpu.memory_space<vmem>>, %arg8: memref<4x400x128xf32, #tpu.memory_space<vmem>>) attributes {dimension_semantics = [#tpu.dimension_semantics<arbitrary>], iteration_bounds = array<i64: 25>, scalar_prefetch = 0 : i64, scratch_operands = 0 : i64, tpu.core_type = #tpu.core_type<tc>, window_params = [{transform_indices = @transform_0, window_bounds = array<i64: 400, 128>}, {transform_indices = @transform_1, window_bounds = array<i64: 400, 384>}, {pipeline_mode = #tpu.pipeline_mode<synchronous>, transform_indices = @transform_2, window_bounds = array<i64: 128, 128>}, {pipeline_mode = #tpu.pipeline_mode<synchronous>, transform_indices = @transform_3, window_bounds = array<i64: 1, 128>}, {pipeline_mode = #tpu.pipeline_mode<synchronous>, transform_indices = @transform_4, window_bounds = array<i64: 128, 384>}, {pipeline_mode = #tpu.pipeline_mode<synchronous>, transform_indices = @transform_5, window_bounds = array<i64: 1, 384>}, {transform_indices = @transform_6, window_bounds = array<i64: 4, 400, 256>}, {transform_indices = @transform_7, window_bounds = array<i64: 4, 400, 128>}]} {
    %get3A = arith.constant 0 : index
    %get3A_0 = arith.constant 0 : index
    %get3A_1 = vector.load %arg1[%get3A, %get3A_0] : memref<400x128xf32, #tpu.memory_space<vmem>>, vector<400x128xf32>
    %get3A_2 = arith.constant 0 : index
    %get3A_3 = arith.constant 0 : index
    %get3A_4 = vector.load %arg3[%get3A_2, %get3A_3] : memref<128x128xf32, #tpu.memory_space<vmem>>, vector<128x128xf32>
    %dot_general3A = arith.constant dense<0.000000e+00> : vector<400x128xf32>
    %dot_general3A_5 = tpu.matmul %get3A_1, %get3A_4, %dot_general3A {dimension_numbers = #tpu.dot_dimension_numbers<[1], [0], [0], [1], [0, 0, 1, 1], [], []>, transpose_lhs_hint = false} : vector<400x128xf32>, vector<128x128xf32>, vector<400x128xf32> -> vector<400x128xf32>
    %get3A_6 = arith.constant 0 : index
    %get3A_7 = arith.constant 0 : index
    %get3A_8 = vector.load %arg4[%get3A_6, %get3A_7] : memref<1x128xf32, #tpu.memory_space<vmem>>, vector<1x128xf32>
    %add3A = vector.broadcast %get3A_8 : vector<1x128xf32> to vector<400x128xf32>
    %add3A_9 = arith.addf %dot_general3A_5, %add3A : vector<400x128xf32>
    %logistic3A = arith.negf %add3A_9 : vector<400x128xf32>
    %logistic3A_10 = math.exp %logistic3A : vector<400x128xf32>
    %logistic3A_11 = arith.constant 1.000000e+00 : f32
    %logistic3A_12 = vector.broadcast %logistic3A_11 : f32 to vector<400x128xf32>
    %logistic3A_13 = arith.addf %logistic3A_12, %logistic3A_10 : vector<400x128xf32>
    %logistic3A_14 = arith.divf %logistic3A_12, %logistic3A_13 : vector<400x128xf32>
    %mul3A = arith.mulf %add3A_9, %logistic3A_14 : vector<400x128xf32>
    %get3A_15 = arith.constant 0 : index
    %get3A_16 = arith.constant 0 : index
    %get3A_17 = vector.load %arg5[%get3A_15, %get3A_16] : memref<128x384xf32, #tpu.memory_space<vmem>>, vector<128x384xf32>
    %dot_general3A_18 = arith.constant dense<0.000000e+00> : vector<400x384xf32>
    %dot_general3A_19 = tpu.matmul %mul3A, %get3A_17, %dot_general3A_18 {dimension_numbers = #tpu.dot_dimension_numbers<[1], [0], [0], [1], [0, 0, 1, 1], [], []>, transpose_lhs_hint = false} : vector<400x128xf32>, vector<128x384xf32>, vector<400x384xf32> -> vector<400x384xf32>
    %get3A_20 = arith.constant 0 : index
    %get3A_21 = arith.constant 0 : index
    %get3A_22 = vector.load %arg6[%get3A_20, %get3A_21] : memref<1x384xf32, #tpu.memory_space<vmem>>, vector<1x384xf32>
    %add3A_23 = vector.broadcast %get3A_22 : vector<1x384xf32> to vector<400x384xf32>
    %add3A_24 = arith.addf %dot_general3A_19, %add3A_23 : vector<400x384xf32>
    %slice3A = vector.extract_strided_slice %add3A_24 {offsets = [0, 0], sizes = [400, 32], strides = [1, 1]} : vector<400x384xf32> to vector<400x32xf32>
    %swap3A = arith.constant 0 : index
    %swap3A_25 = arith.constant 0 : index
    %swap3A_26 = arith.constant 0 : index
    %swap3A_27 = vector.load %arg7[%swap3A, %swap3A_25, %swap3A_26] : memref<4x400x256xf32, #tpu.memory_space<vmem>>, vector<1x400x32xf32>
    %swap3A_28 = vector.shape_cast %swap3A_27 : vector<1x400x32xf32> to vector<400x32xf32>
    %swap3A_29 = vector.shape_cast %slice3A : vector<400x32xf32> to vector<1x400x32xf32>
    tpu.vector_store %arg7[%swap3A, %swap3A_25, %swap3A_26], %swap3A_29 {strides = array<i32>} : memref<4x400x256xf32, #tpu.memory_space<vmem>>, vector<1x400x32xf32>,
    %slice3A_30 = vector.extract_strided_slice %add3A_24 {offsets = [0, 128], sizes = [400, 32], strides = [1, 1]} : vector<400x384xf32> to vector<400x32xf32>
    %swap3A_31 = arith.constant 0 : index
    %swap3A_32 = arith.constant 0 : index
    %swap3A_33 = arith.constant 32 : index
    %swap3A_34 = vector.load %arg7[%swap3A_31, %swap3A_32, %swap3A_33] : memref<4x400x256xf32, #tpu.memory_space<vmem>>, vector<1x400x32xf32>
    %swap3A_35 = vector.shape_cast %swap3A_34 : vector<1x400x32xf32> to vector<400x32xf32>
    %swap3A_36 = vector.shape_cast %slice3A_30 : vector<400x32xf32> to vector<1x400x32xf32>
    tpu.vector_store %arg7[%swap3A_31, %swap3A_32, %swap3A_33], %swap3A_36 {strides = array<i32>} : memref<4x400x256xf32, #tpu.memory_space<vmem>>, vector<1x400x32xf32>,
    %slice3A_37 = vector.extract_strided_slice %add3A_24 {offsets = [0, 256], sizes = [400, 32], strides = [1, 1]} : vector<400x384xf32> to vector<400x32xf32>
    %swap3A_38 = arith.constant 0 : index
    %swap3A_39 = arith.constant 0 : index
    %swap3A_40 = arith.constant 64 : index
    %swap3A_41 = vector.load %arg7[%swap3A_38, %swap3A_39, %swap3A_40] : memref<4x400x256xf32, #tpu.memory_space<vmem>>, vector<1x400x32xf32>
    %swap3A_42 = vector.shape_cast %swap3A_41 : vector<1x400x32xf32> to vector<400x32xf32>
    %swap3A_43 = vector.shape_cast %slice3A_37 : vector<400x32xf32> to vector<1x400x32xf32>
    tpu.vector_store %arg7[%swap3A_38, %swap3A_39, %swap3A_40], %swap3A_43 {strides = array<i32>} : memref<4x400x256xf32, #tpu.memory_space<vmem>>, vector<1x400x32xf32>,
    %get3A_44 = arith.constant 0 : index
    %get3A_45 = arith.constant 0 : index
    %get3A_46 = vector.load %arg1[%get3A_44, %get3A_45] : memref<400x128xf32, #tpu.memory_space<vmem>>, vector<400x32xf32>
    %swap3A_47 = arith.constant 0 : index
    %swap3A_48 = arith.constant 0 : index
    %swap3A_49 = arith.constant 0 : index
    %swap3A_50 = vector.load %arg8[%swap3A_47, %swap3A_48, %swap3A_49] : memref<4x400x128xf32, #tpu.memory_space<vmem>>, vector<1x400x32xf32>
    %swap3A_51 = vector.shape_cast %swap3A_50 : vector<1x400x32xf32> to vector<400x32xf32>
    %swap3A_52 = vector.shape_cast %get3A_46 : vector<400x32xf32> to vector<1x400x32xf32>
    tpu.vector_store %arg8[%swap3A_47, %swap3A_48, %swap3A_49], %swap3A_52 {strides = array<i32>} : memref<4x400x128xf32, #tpu.memory_space<vmem>>, vector<1x400x32xf32>,
    %get3A_53 = arith.constant 0 : index
    %get3A_54 = arith.constant 0 : index
    %get3A_55 = vector.load %arg2[%get3A_53, %get3A_54] : memref<400x384xf32, #tpu.memory_space<vmem>>, vector<400x32xf32>
    %swap3A_56 = arith.constant 0 : index
    %swap3A_57 = arith.constant 0 : index
    %swap3A_58 = arith.constant 96 : index
    %swap3A_59 = vector.load %arg7[%swap3A_56, %swap3A_57, %swap3A_58] : memref<4x400x256xf32, #tpu.memory_space<vmem>>, vector<1x400x32xf32>
    %swap3A_60 = vector.shape_cast %swap3A_59 : vector<1x400x32xf32> to vector<400x32xf32>
    %swap3A_61 = vector.shape_cast %get3A_55 : vector<400x32xf32> to vector<1x400x32xf32>
    tpu.vector_store %arg7[%swap3A_56, %swap3A_57, %swap3A_58], %swap3A_61 {strides = array<i32>} : memref<4x400x256xf32, #tpu.memory_space<vmem>>, vector<1x400x32xf32>,
    %swap3A_62 = arith.constant 0 : index
    %swap3A_63 = arith.constant 0 : index
    %swap3A_64 = arith.constant 32 : index
    %swap3A_65 = vector.load %arg8[%swap3A_62, %swap3A_63, %swap3A_64] : memref<4x400x128xf32, #tpu.memory_space<vmem>>, vector<1x400x32xf32>
    %swap3A_66 = vector.shape_cast %swap3A_65 : vector<1x400x32xf32> to vector<400x32xf32>
    %swap3A_67 = vector.shape_cast %get3A_55 : vector<400x32xf32> to vector<1x400x32xf32>
    tpu.vector_store %arg8[%swap3A_62, %swap3A_63, %swap3A_64], %swap3A_67 {strides = array<i32>} : memref<4x400x128xf32, #tpu.memory_space<vmem>>, vector<1x400x32xf32>,
    %get3A_68 = arith.constant 0 : index
    %get3A_69 = arith.constant 128 : index
    %get3A_70 = vector.load %arg2[%get3A_68, %get3A_69] : memref<400x384xf32, #tpu.memory_space<vmem>>, vector<400x32xf32>
    %swap3A_71 = arith.constant 0 : index
    %swap3A_72 = arith.constant 0 : index
    %swap3A_73 = arith.constant 128 : index
    %swap3A_74 = vector.load %arg7[%swap3A_71, %swap3A_72, %swap3A_73] : memref<4x400x256xf32, #tpu.memory_space<vmem>>, vector<1x400x32xf32>
    %swap3A_75 = vector.shape_cast %swap3A_74 : vector<1x400x32xf32> to vector<400x32xf32>
    %swap3A_76 = vector.shape_cast %get3A_70 : vector<400x32xf32> to vector<1x400x32xf32>
    tpu.vector_store %arg7[%swap3A_71, %swap3A_72, %swap3A_73], %swap3A_76 {strides = array<i32>} : memref<4x400x256xf32, #tpu.memory_space<vmem>>, vector<1x400x32xf32>,
    %swap3A_77 = arith.constant 0 : index
    %swap3A_78 = arith.constant 0 : index
    %swap3A_79 = arith.constant 64 : index
    %swap3A_80 = vector.load %arg8[%swap3A_77, %swap3A_78, %swap3A_79] : memref<4x400x128xf32, #tpu.memory_space<vmem>>, vector<1x400x32xf32>
    %swap3A_81 = vector.shape_cast %swap3A_80 : vector<1x400x32xf32> to vector<400x32xf32>
    %swap3A_82 = vector.shape_cast %get3A_70 : vector<400x32xf32> to vector<1x400x32xf32>
    tpu.vector_store %arg8[%swap3A_77, %swap3A_78, %swap3A_79], %swap3A_82 {strides = array<i32>} : memref<4x400x128xf32, #tpu.memory_space<vmem>>, vector<1x400x32xf32>,
    %get3A_83 = arith.constant 0 : index
    %get3A_84 = arith.constant 256 : index
    %get3A_85 = vector.load %arg2[%get3A_83, %get3A_84] : memref<400x384xf32, #tpu.memory_space<vmem>>, vector<400x32xf32>
    %swap3A_86 = arith.constant 0 : index
    %swap3A_87 = arith.constant 0 : index
    %swap3A_88 = arith.constant 160 : index
    %swap3A_89 = vector.load %arg7[%swap3A_86, %swap3A_87, %swap3A_88] : memref<4x400x256xf32, #tpu.memory_space<vmem>>, vector<1x400x32xf32>
    %swap3A_90 = vector.shape_cast %swap3A_89 : vector<1x400x32xf32> to vector<400x32xf32>
    %swap3A_91 = vector.shape_cast %get3A_85 : vector<400x32xf32> to vector<1x400x32xf32>
    tpu.vector_store %arg7[%swap3A_86, %swap3A_87, %swap3A_88], %swap3A_91 {strides = array<i32>} : memref<4x400x256xf32, #tpu.memory_space<vmem>>, vector<1x400x32xf32>,
    %swap3A_92 = arith.constant 0 : index
    %swap3A_93 = arith.constant 0 : index
    %swap3A_94 = arith.constant 96 : index
    %swap3A_95 = vector.load %arg8[%swap3A_92, %swap3A_93, %swap3A_94] : memref<4x400x128xf32, #tpu.memory_space<vmem>>, vector<1x400x32xf32>
    %swap3A_96 = vector.shape_cast %swap3A_95 : vector<1x400x32xf32> to vector<400x32xf32>
    %swap3A_97 = vector.shape_cast %get3A_85 : vector<400x32xf32> to vector<1x400x32xf32>
    tpu.vector_store %arg8[%swap3A_92, %swap3A_93, %swap3A_94], %swap3A_97 {strides = array<i32>} : memref<4x400x128xf32, #tpu.memory_space<vmem>>, vector<1x400x32xf32>,
    %broadcast_in_dim3A = arith.constant 0.000000e+00 : f32
    %broadcast_in_dim3A_98 = vector.broadcast %broadcast_in_dim3A : f32 to vector<400x64xf32>
    %swap3A_99 = arith.constant 0 : index
    %swap3A_100 = arith.constant 0 : index
    %swap3A_101 = arith.constant 192 : index
    %swap3A_102 = vector.load %arg7[%swap3A_99, %swap3A_100, %swap3A_101] : memref<4x400x256xf32, #tpu.memory_space<vmem>>, vector<1x400x64xf32>
    %swap3A_103 = vector.shape_cast %swap3A_102 : vector<1x400x64xf32> to vector<400x64xf32>
    %swap3A_104 = vector.shape_cast %broadcast_in_dim3A_98 : vector<400x64xf32> to vector<1x400x64xf32>
    tpu.vector_store %arg7[%swap3A_99, %swap3A_100, %swap3A_101], %swap3A_104 {strides = array<i32>} : memref<4x400x256xf32, #tpu.memory_space<vmem>>, vector<1x400x64xf32>,
    %slice3A_105 = vector.extract_strided_slice %add3A_24 {offsets = [0, 32], sizes = [400, 32], strides = [1, 1]} : vector<400x384xf32> to vector<400x32xf32>
    %swap3A_106 = arith.constant 1 : index
    %swap3A_107 = arith.constant 0 : index
    %swap3A_108 = arith.constant 0 : index
    %swap3A_109 = vector.load %arg7[%swap3A_106, %swap3A_107, %swap3A_108] : memref<4x400x256xf32, #tpu.memory_space<vmem>>, vector<1x400x32xf32>
    %swap3A_110 = vector.shape_cast %swap3A_109 : vector<1x400x32xf32> to vector<400x32xf32>
    %swap3A_111 = vector.shape_cast %slice3A_105 : vector<400x32xf32> to vector<1x400x32xf32>
    tpu.vector_store %arg7[%swap3A_106, %swap3A_107, %swap3A_108], %swap3A_111 {strides = array<i32>} : memref<4x400x256xf32, #tpu.memory_space<vmem>>, vector<1x400x32xf32>,
    %slice3A_112 = vector.extract_strided_slice %add3A_24 {offsets = [0, 160], sizes = [400, 32], strides = [1, 1]} : vector<400x384xf32> to vector<400x32xf32>
    %swap3A_113 = arith.constant 1 : index
    %swap3A_114 = arith.constant 0 : index
    %swap3A_115 = arith.constant 32 : index
    %swap3A_116 = vector.load %arg7[%swap3A_113, %swap3A_114, %swap3A_115] : memref<4x400x256xf32, #tpu.memory_space<vmem>>, vector<1x400x32xf32>
    %swap3A_117 = vector.shape_cast %swap3A_116 : vector<1x400x32xf32> to vector<400x32xf32>
    %swap3A_118 = vector.shape_cast %slice3A_112 : vector<400x32xf32> to vector<1x400x32xf32>
    tpu.vector_store %arg7[%swap3A_113, %swap3A_114, %swap3A_115], %swap3A_118 {strides = array<i32>} : memref<4x400x256xf32, #tpu.memory_space<vmem>>, vector<1x400x32xf32>,
    %slice3A_119 = vector.extract_strided_slice %add3A_24 {offsets = [0, 288], sizes = [400, 32], strides = [1, 1]} : vector<400x384xf32> to vector<400x32xf32>
    %swap3A_120 = arith.constant 1 : index
    %swap3A_121 = arith.constant 0 : index
    %swap3A_122 = arith.constant 64 : index
    %swap3A_123 = vector.load %arg7[%swap3A_120, %swap3A_121, %swap3A_122] : memref<4x400x256xf32, #tpu.memory_space<vmem>>, vector<1x400x32xf32>
    %swap3A_124 = vector.shape_cast %swap3A_123 : vector<1x400x32xf32> to vector<400x32xf32>
    %swap3A_125 = vector.shape_cast %slice3A_119 : vector<400x32xf32> to vector<1x400x32xf32>
    tpu.vector_store %arg7[%swap3A_120, %swap3A_121, %swap3A_122], %swap3A_125 {strides = array<i32>} : memref<4x400x256xf32, #tpu.memory_space<vmem>>, vector<1x400x32xf32>,
    %get3A_126 = arith.constant 0 : index
    %get3A_127 = arith.constant 32 : index
    %get3A_128 = vector.load %arg1[%get3A_126, %get3A_127] : memref<400x128xf32, #tpu.memory_space<vmem>>, vector<400x32xf32>
    %swap3A_129 = arith.constant 1 : index
    %swap3A_130 = arith.constant 0 : index
    %swap3A_131 = arith.constant 0 : index
    %swap3A_132 = vector.load %arg8[%swap3A_129, %swap3A_130, %swap3A_131] : memref<4x400x128xf32, #tpu.memory_space<vmem>>, vector<1x400x32xf32>
    %swap3A_133 = vector.shape_cast %swap3A_132 : vector<1x400x32xf32> to vector<400x32xf32>
    %swap3A_134 = vector.shape_cast %get3A_128 : vector<400x32xf32> to vector<1x400x32xf32>
    tpu.vector_store %arg8[%swap3A_129, %swap3A_130, %swap3A_131], %swap3A_134 {strides = array<i32>} : memref<4x400x128xf32, #tpu.memory_space<vmem>>, vector<1x400x32xf32>,
    %get3A_135 = arith.constant 0 : index
    %get3A_136 = arith.constant 32 : index
    %get3A_137 = vector.load %arg2[%get3A_135, %get3A_136] : memref<400x384xf32, #tpu.memory_space<vmem>>, vector<400x32xf32>
    %swap3A_138 = arith.constant 1 : index
    %swap3A_139 = arith.constant 0 : index
    %swap3A_140 = arith.constant 96 : index
    %swap3A_141 = vector.load %arg7[%swap3A_138, %swap3A_139, %swap3A_140] : memref<4x400x256xf32, #tpu.memory_space<vmem>>, vector<1x400x32xf32>
    %swap3A_142 = vector.shape_cast %swap3A_141 : vector<1x400x32xf32> to vector<400x32xf32>
    %swap3A_143 = vector.shape_cast %get3A_137 : vector<400x32xf32> to vector<1x400x32xf32>
    tpu.vector_store %arg7[%swap3A_138, %swap3A_139, %swap3A_140], %swap3A_143 {strides = array<i32>} : memref<4x400x256xf32, #tpu.memory_space<vmem>>, vector<1x400x32xf32>,
    %swap3A_144 = arith.constant 1 : index
    %swap3A_145 = arith.constant 0 : index
    %swap3A_146 = arith.constant 32 : index
    %swap3A_147 = vector.load %arg8[%swap3A_144, %swap3A_145, %swap3A_146] : memref<4x400x128xf32, #tpu.memory_space<vmem>>, vector<1x400x32xf32>
    %swap3A_148 = vector.shape_cast %swap3A_147 : vector<1x400x32xf32> to vector<400x32xf32>
    %swap3A_149 = vector.shape_cast %get3A_137 : vector<400x32xf32> to vector<1x400x32xf32>
    tpu.vector_store %arg8[%swap3A_144, %swap3A_145, %swap3A_146], %swap3A_149 {strides = array<i32>} : memref<4x400x128xf32, #tpu.memory_space<vmem>>, vector<1x400x32xf32>,
    %get3A_150 = arith.constant 0 : index
    %get3A_151 = arith.constant 160 : index
    %get3A_152 = vector.load %arg2[%get3A_150, %get3A_151] : memref<400x384xf32, #tpu.memory_space<vmem>>, vector<400x32xf32>
    %swap3A_153 = arith.constant 1 : index
    %swap3A_154 = arith.constant 0 : index
    %swap3A_155 = arith.constant 128 : index
    %swap3A_156 = vector.load %arg7[%swap3A_153, %swap3A_154, %swap3A_155] : memref<4x400x256xf32, #tpu.memory_space<vmem>>, vector<1x400x32xf32>
    %swap3A_157 = vector.shape_cast %swap3A_156 : vector<1x400x32xf32> to vector<400x32xf32>
    %swap3A_158 = vector.shape_cast %get3A_152 : vector<400x32xf32> to vector<1x400x32xf32>
    tpu.vector_store %arg7[%swap3A_153, %swap3A_154, %swap3A_155], %swap3A_158 {strides = array<i32>} : memref<4x400x256xf32, #tpu.memory_space<vmem>>, vector<1x400x32xf32>,
    %swap3A_159 = arith.constant 1 : index
    %swap3A_160 = arith.constant 0 : index
    %swap3A_161 = arith.constant 64 : index
    %swap3A_162 = vector.load %arg8[%swap3A_159, %swap3A_160, %swap3A_161] : memref<4x400x128xf32, #tpu.memory_space<vmem>>, vector<1x400x32xf32>
    %swap3A_163 = vector.shape_cast %swap3A_162 : vector<1x400x32xf32> to vector<400x32xf32>
    %swap3A_164 = vector.shape_cast %get3A_152 : vector<400x32xf32> to vector<1x400x32xf32>
    tpu.vector_store %arg8[%swap3A_159, %swap3A_160, %swap3A_161], %swap3A_164 {strides = array<i32>} : memref<4x400x128xf32, #tpu.memory_space<vmem>>, vector<1x400x32xf32>,
    %get3A_165 = arith.constant 0 : index
    %get3A_166 = arith.constant 288 : index
    %get3A_167 = vector.load %arg2[%get3A_165, %get3A_166] : memref<400x384xf32, #tpu.memory_space<vmem>>, vector<400x32xf32>
    %swap3A_168 = arith.constant 1 : index
    %swap3A_169 = arith.constant 0 : index
    %swap3A_170 = arith.constant 160 : index
    %swap3A_171 = vector.load %arg7[%swap3A_168, %swap3A_169, %swap3A_170] : memref<4x400x256xf32, #tpu.memory_space<vmem>>, vector<1x400x32xf32>
    %swap3A_172 = vector.shape_cast %swap3A_171 : vector<1x400x32xf32> to vector<400x32xf32>
    %swap3A_173 = vector.shape_cast %get3A_167 : vector<400x32xf32> to vector<1x400x32xf32>
    tpu.vector_store %arg7[%swap3A_168, %swap3A_169, %swap3A_170], %swap3A_173 {strides = array<i32>} : memref<4x400x256xf32, #tpu.memory_space<vmem>>, vector<1x400x32xf32>,
    %swap3A_174 = arith.constant 1 : index
    %swap3A_175 = arith.constant 0 : index
    %swap3A_176 = arith.constant 96 : index
    %swap3A_177 = vector.load %arg8[%swap3A_174, %swap3A_175, %swap3A_176] : memref<4x400x128xf32, #tpu.memory_space<vmem>>, vector<1x400x32xf32>
    %swap3A_178 = vector.shape_cast %swap3A_177 : vector<1x400x32xf32> to vector<400x32xf32>
    %swap3A_179 = vector.shape_cast %get3A_167 : vector<400x32xf32> to vector<1x400x32xf32>
    tpu.vector_store %arg8[%swap3A_174, %swap3A_175, %swap3A_176], %swap3A_179 {strides = array<i32>} : memref<4x400x128xf32, #tpu.memory_space<vmem>>, vector<1x400x32xf32>,
    %broadcast_in_dim3A_180 = arith.constant 0.000000e+00 : f32
    %broadcast_in_dim3A_181 = vector.broadcast %broadcast_in_dim3A_180 : f32 to vector<400x64xf32>
    %swap3A_182 = arith.constant 1 : index
    %swap3A_183 = arith.constant 0 : index
    %swap3A_184 = arith.constant 192 : index
    %swap3A_185 = vector.load %arg7[%swap3A_182, %swap3A_183, %swap3A_184] : memref<4x400x256xf32, #tpu.memory_space<vmem>>, vector<1x400x64xf32>
    %swap3A_186 = vector.shape_cast %swap3A_185 : vector<1x400x64xf32> to vector<400x64xf32>
    %swap3A_187 = vector.shape_cast %broadcast_in_dim3A_181 : vector<400x64xf32> to vector<1x400x64xf32>
    tpu.vector_store %arg7[%swap3A_182, %swap3A_183, %swap3A_184], %swap3A_187 {strides = array<i32>} : memref<4x400x256xf32, #tpu.memory_space<vmem>>, vector<1x400x64xf32>,
    %slice3A_188 = vector.extract_strided_slice %add3A_24 {offsets = [0, 64], sizes = [400, 32], strides = [1, 1]} : vector<400x384xf32> to vector<400x32xf32>
    %swap3A_189 = arith.constant 2 : index
    %swap3A_190 = arith.constant 0 : index
    %swap3A_191 = arith.constant 0 : index
    %swap3A_192 = vector.load %arg7[%swap3A_189, %swap3A_190, %swap3A_191] : memref<4x400x256xf32, #tpu.memory_space<vmem>>, vector<1x400x32xf32>
    %swap3A_193 = vector.shape_cast %swap3A_192 : vector<1x400x32xf32> to vector<400x32xf32>
    %swap3A_194 = vector.shape_cast %slice3A_188 : vector<400x32xf32> to vector<1x400x32xf32>
    tpu.vector_store %arg7[%swap3A_189, %swap3A_190, %swap3A_191], %swap3A_194 {strides = array<i32>} : memref<4x400x256xf32, #tpu.memory_space<vmem>>, vector<1x400x32xf32>,
    %slice3A_195 = vector.extract_strided_slice %add3A_24 {offsets = [0, 192], sizes = [400, 32], strides = [1, 1]} : vector<400x384xf32> to vector<400x32xf32>
    %swap3A_196 = arith.constant 2 : index
    %swap3A_197 = arith.constant 0 : index
    %swap3A_198 = arith.constant 32 : index
    %swap3A_199 = vector.load %arg7[%swap3A_196, %swap3A_197, %swap3A_198] : memref<4x400x256xf32, #tpu.memory_space<vmem>>, vector<1x400x32xf32>
    %swap3A_200 = vector.shape_cast %swap3A_199 : vector<1x400x32xf32> to vector<400x32xf32>
    %swap3A_201 = vector.shape_cast %slice3A_195 : vector<400x32xf32> to vector<1x400x32xf32>
    tpu.vector_store %arg7[%swap3A_196, %swap3A_197, %swap3A_198], %swap3A_201 {strides = array<i32>} : memref<4x400x256xf32, #tpu.memory_space<vmem>>, vector<1x400x32xf32>,
    %slice3A_202 = vector.extract_strided_slice %add3A_24 {offsets = [0, 320], sizes = [400, 32], strides = [1, 1]} : vector<400x384xf32> to vector<400x32xf32>
    %swap3A_203 = arith.constant 2 : index
    %swap3A_204 = arith.constant 0 : index
    %swap3A_205 = arith.constant 64 : index
    %swap3A_206 = vector.load %arg7[%swap3A_203, %swap3A_204, %swap3A_205] : memref<4x400x256xf32, #tpu.memory_space<vmem>>, vector<1x400x32xf32>
    %swap3A_207 = vector.shape_cast %swap3A_206 : vector<1x400x32xf32> to vector<400x32xf32>
    %swap3A_208 = vector.shape_cast %slice3A_202 : vector<400x32xf32> to vector<1x400x32xf32>
    tpu.vector_store %arg7[%swap3A_203, %swap3A_204, %swap3A_205], %swap3A_208 {strides = array<i32>} : memref<4x400x256xf32, #tpu.memory_space<vmem>>, vector<1x400x32xf32>,
    %get3A_209 = arith.constant 0 : index
    %get3A_210 = arith.constant 64 : index
    %get3A_211 = vector.load %arg1[%get3A_209, %get3A_210] : memref<400x128xf32, #tpu.memory_space<vmem>>, vector<400x32xf32>
    %swap3A_212 = arith.constant 2 : index
    %swap3A_213 = arith.constant 0 : index
    %swap3A_214 = arith.constant 0 : index
    %swap3A_215 = vector.load %arg8[%swap3A_212, %swap3A_213, %swap3A_214] : memref<4x400x128xf32, #tpu.memory_space<vmem>>, vector<1x400x32xf32>
    %swap3A_216 = vector.shape_cast %swap3A_215 : vector<1x400x32xf32> to vector<400x32xf32>
    %swap3A_217 = vector.shape_cast %get3A_211 : vector<400x32xf32> to vector<1x400x32xf32>
    tpu.vector_store %arg8[%swap3A_212, %swap3A_213, %swap3A_214], %swap3A_217 {strides = array<i32>} : memref<4x400x128xf32, #tpu.memory_space<vmem>>, vector<1x400x32xf32>,
    %get3A_218 = arith.constant 0 : index
    %get3A_219 = arith.constant 64 : index
    %get3A_220 = vector.load %arg2[%get3A_218, %get3A_219] : memref<400x384xf32, #tpu.memory_space<vmem>>, vector<400x32xf32>
    %swap3A_221 = arith.constant 2 : index
    %swap3A_222 = arith.constant 0 : index
    %swap3A_223 = arith.constant 96 : index
    %swap3A_224 = vector.load %arg7[%swap3A_221, %swap3A_222, %swap3A_223] : memref<4x400x256xf32, #tpu.memory_space<vmem>>, vector<1x400x32xf32>
    %swap3A_225 = vector.shape_cast %swap3A_224 : vector<1x400x32xf32> to vector<400x32xf32>
    %swap3A_226 = vector.shape_cast %get3A_220 : vector<400x32xf32> to vector<1x400x32xf32>
    tpu.vector_store %arg7[%swap3A_221, %swap3A_222, %swap3A_223], %swap3A_226 {strides = array<i32>} : memref<4x400x256xf32, #tpu.memory_space<vmem>>, vector<1x400x32xf32>,
    %swap3A_227 = arith.constant 2 : index
    %swap3A_228 = arith.constant 0 : index
    %swap3A_229 = arith.constant 32 : index
    %swap3A_230 = vector.load %arg8[%swap3A_227, %swap3A_228, %swap3A_229] : memref<4x400x128xf32, #tpu.memory_space<vmem>>, vector<1x400x32xf32>
    %swap3A_231 = vector.shape_cast %swap3A_230 : vector<1x400x32xf32> to vector<400x32xf32>
    %swap3A_232 = vector.shape_cast %get3A_220 : vector<400x32xf32> to vector<1x400x32xf32>
    tpu.vector_store %arg8[%swap3A_227, %swap3A_228, %swap3A_229], %swap3A_232 {strides = array<i32>} : memref<4x400x128xf32, #tpu.memory_space<vmem>>, vector<1x400x32xf32>,
    %get3A_233 = arith.constant 0 : index
    %get3A_234 = arith.constant 192 : index
    %get3A_235 = vector.load %arg2[%get3A_233, %get3A_234] : memref<400x384xf32, #tpu.memory_space<vmem>>, vector<400x32xf32>
    %swap3A_236 = arith.constant 2 : index
    %swap3A_237 = arith.constant 0 : index
    %swap3A_238 = arith.constant 128 : index
    %swap3A_239 = vector.load %arg7[%swap3A_236, %swap3A_237, %swap3A_238] : memref<4x400x256xf32, #tpu.memory_space<vmem>>, vector<1x400x32xf32>
    %swap3A_240 = vector.shape_cast %swap3A_239 : vector<1x400x32xf32> to vector<400x32xf32>
    %swap3A_241 = vector.shape_cast %get3A_235 : vector<400x32xf32> to vector<1x400x32xf32>
    tpu.vector_store %arg7[%swap3A_236, %swap3A_237, %swap3A_238], %swap3A_241 {strides = array<i32>} : memref<4x400x256xf32, #tpu.memory_space<vmem>>, vector<1x400x32xf32>,
    %swap3A_242 = arith.constant 2 : index
    %swap3A_243 = arith.constant 0 : index
    %swap3A_244 = arith.constant 64 : index
    %swap3A_245 = vector.load %arg8[%swap3A_242, %swap3A_243, %swap3A_244] : memref<4x400x128xf32, #tpu.memory_space<vmem>>, vector<1x400x32xf32>
    %swap3A_246 = vector.shape_cast %swap3A_245 : vector<1x400x32xf32> to vector<400x32xf32>
    %swap3A_247 = vector.shape_cast %get3A_235 : vector<400x32xf32> to vector<1x400x32xf32>
    tpu.vector_store %arg8[%swap3A_242, %swap3A_243, %swap3A_244], %swap3A_247 {strides = array<i32>} : memref<4x400x128xf32, #tpu.memory_space<vmem>>, vector<1x400x32xf32>,
    %get3A_248 = arith.constant 0 : index
    %get3A_249 = arith.constant 320 : index
    %get3A_250 = vector.load %arg2[%get3A_248, %get3A_249] : memref<400x384xf32, #tpu.memory_space<vmem>>, vector<400x32xf32>
    %swap3A_251 = arith.constant 2 : index
    %swap3A_252 = arith.constant 0 : index
    %swap3A_253 = arith.constant 160 : index
    %swap3A_254 = vector.load %arg7[%swap3A_251, %swap3A_252, %swap3A_253] : memref<4x400x256xf32, #tpu.memory_space<vmem>>, vector<1x400x32xf32>
    %swap3A_255 = vector.shape_cast %swap3A_254 : vector<1x400x32xf32> to vector<400x32xf32>
    %swap3A_256 = vector.shape_cast %get3A_250 : vector<400x32xf32> to vector<1x400x32xf32>
    tpu.vector_store %arg7[%swap3A_251, %swap3A_252, %swap3A_253], %swap3A_256 {strides = array<i32>} : memref<4x400x256xf32, #tpu.memory_space<vmem>>, vector<1x400x32xf32>,
    %swap3A_257 = arith.constant 2 : index
    %swap3A_258 = arith.constant 0 : index
    %swap3A_259 = arith.constant 96 : index
    %swap3A_260 = vector.load %arg8[%swap3A_257, %swap3A_258, %swap3A_259] : memref<4x400x128xf32, #tpu.memory_space<vmem>>, vector<1x400x32xf32>
    %swap3A_261 = vector.shape_cast %swap3A_260 : vector<1x400x32xf32> to vector<400x32xf32>
    %swap3A_262 = vector.shape_cast %get3A_250 : vector<400x32xf32> to vector<1x400x32xf32>
    tpu.vector_store %arg8[%swap3A_257, %swap3A_258, %swap3A_259], %swap3A_262 {strides = array<i32>} : memref<4x400x128xf32, #tpu.memory_space<vmem>>, vector<1x400x32xf32>,
    %broadcast_in_dim3A_263 = arith.constant 0.000000e+00 : f32
    %broadcast_in_dim3A_264 = vector.broadcast %broadcast_in_dim3A_263 : f32 to vector<400x64xf32>
    %swap3A_265 = arith.constant 2 : index
    %swap3A_266 = arith.constant 0 : index
    %swap3A_267 = arith.constant 192 : index
    %swap3A_268 = vector.load %arg7[%swap3A_265, %swap3A_266, %swap3A_267] : memref<4x400x256xf32, #tpu.memory_space<vmem>>, vector<1x400x64xf32>
    %swap3A_269 = vector.shape_cast %swap3A_268 : vector<1x400x64xf32> to vector<400x64xf32>
    %swap3A_270 = vector.shape_cast %broadcast_in_dim3A_264 : vector<400x64xf32> to vector<1x400x64xf32>
    tpu.vector_store %arg7[%swap3A_265, %swap3A_266, %swap3A_267], %swap3A_270 {strides = array<i32>} : memref<4x400x256xf32, #tpu.memory_space<vmem>>, vector<1x400x64xf32>,
    %slice3A_271 = vector.extract_strided_slice %add3A_24 {offsets = [0, 96], sizes = [400, 32], strides = [1, 1]} : vector<400x384xf32> to vector<400x32xf32>
    %swap3A_272 = arith.constant 3 : index
    %swap3A_273 = arith.constant 0 : index
    %swap3A_274 = arith.constant 0 : index
    %swap3A_275 = vector.load %arg7[%swap3A_272, %swap3A_273, %swap3A_274] : memref<4x400x256xf32, #tpu.memory_space<vmem>>, vector<1x400x32xf32>
    %swap3A_276 = vector.shape_cast %swap3A_275 : vector<1x400x32xf32> to vector<400x32xf32>
    %swap3A_277 = vector.shape_cast %slice3A_271 : vector<400x32xf32> to vector<1x400x32xf32>
    tpu.vector_store %arg7[%swap3A_272, %swap3A_273, %swap3A_274], %swap3A_277 {strides = array<i32>} : memref<4x400x256xf32, #tpu.memory_space<vmem>>, vector<1x400x32xf32>,
    %slice3A_278 = vector.extract_strided_slice %add3A_24 {offsets = [0, 224], sizes = [400, 32], strides = [1, 1]} : vector<400x384xf32> to vector<400x32xf32>
    %swap3A_279 = arith.constant 3 : index
    %swap3A_280 = arith.constant 0 : index
    %swap3A_281 = arith.constant 32 : index
    %swap3A_282 = vector.load %arg7[%swap3A_279, %swap3A_280, %swap3A_281] : memref<4x400x256xf32, #tpu.memory_space<vmem>>, vector<1x400x32xf32>
    %swap3A_283 = vector.shape_cast %swap3A_282 : vector<1x400x32xf32> to vector<400x32xf32>
    %swap3A_284 = vector.shape_cast %slice3A_278 : vector<400x32xf32> to vector<1x400x32xf32>
    tpu.vector_store %arg7[%swap3A_279, %swap3A_280, %swap3A_281], %swap3A_284 {strides = array<i32>} : memref<4x400x256xf32, #tpu.memory_space<vmem>>, vector<1x400x32xf32>,
    %slice3A_285 = vector.extract_strided_slice %add3A_24 {offsets = [0, 352], sizes = [400, 32], strides = [1, 1]} : vector<400x384xf32> to vector<400x32xf32>
    %swap3A_286 = arith.constant 3 : index
    %swap3A_287 = arith.constant 0 : index
    %swap3A_288 = arith.constant 64 : index
    %swap3A_289 = vector.load %arg7[%swap3A_286, %swap3A_287, %swap3A_288] : memref<4x400x256xf32, #tpu.memory_space<vmem>>, vector<1x400x32xf32>
    %swap3A_290 = vector.shape_cast %swap3A_289 : vector<1x400x32xf32> to vector<400x32xf32>
    %swap3A_291 = vector.shape_cast %slice3A_285 : vector<400x32xf32> to vector<1x400x32xf32>
    tpu.vector_store %arg7[%swap3A_286, %swap3A_287, %swap3A_288], %swap3A_291 {strides = array<i32>} : memref<4x400x256xf32, #tpu.memory_space<vmem>>, vector<1x400x32xf32>,
    %get3A_292 = arith.constant 0 : index
    %get3A_293 = arith.constant 96 : index
    %get3A_294 = vector.load %arg1[%get3A_292, %get3A_293] : memref<400x128xf32, #tpu.memory_space<vmem>>, vector<400x32xf32>
    %swap3A_295 = arith.constant 3 : index
    %swap3A_296 = arith.constant 0 : index
    %swap3A_297 = arith.constant 0 : index
    %swap3A_298 = vector.load %arg8[%swap3A_295, %swap3A_296, %swap3A_297] : memref<4x400x128xf32, #tpu.memory_space<vmem>>, vector<1x400x32xf32>
    %swap3A_299 = vector.shape_cast %swap3A_298 : vector<1x400x32xf32> to vector<400x32xf32>
    %swap3A_300 = vector.shape_cast %get3A_294 : vector<400x32xf32> to vector<1x400x32xf32>
    tpu.vector_store %arg8[%swap3A_295, %swap3A_296, %swap3A_297], %swap3A_300 {strides = array<i32>} : memref<4x400x128xf32, #tpu.memory_space<vmem>>, vector<1x400x32xf32>,
    %get3A_301 = arith.constant 0 : index
    %get3A_302 = arith.constant 96 : index
    %get3A_303 = vector.load %arg2[%get3A_301, %get3A_302] : memref<400x384xf32, #tpu.memory_space<vmem>>, vector<400x32xf32>
    %swap3A_304 = arith.constant 3 : index
    %swap3A_305 = arith.constant 0 : index
    %swap3A_306 = arith.constant 96 : index
    %swap3A_307 = vector.load %arg7[%swap3A_304, %swap3A_305, %swap3A_306] : memref<4x400x256xf32, #tpu.memory_space<vmem>>, vector<1x400x32xf32>
    %swap3A_308 = vector.shape_cast %swap3A_307 : vector<1x400x32xf32> to vector<400x32xf32>
    %swap3A_309 = vector.shape_cast %get3A_303 : vector<400x32xf32> to vector<1x400x32xf32>
    tpu.vector_store %arg7[%swap3A_304, %swap3A_305, %swap3A_306], %swap3A_309 {strides = array<i32>} : memref<4x400x256xf32, #tpu.memory_space<vmem>>, vector<1x400x32xf32>,
    %swap3A_310 = arith.constant 3 : index
    %swap3A_311 = arith.constant 0 : index
    %swap3A_312 = arith.constant 32 : index
    %swap3A_313 = vector.load %arg8[%swap3A_310, %swap3A_311, %swap3A_312] : memref<4x400x128xf32, #tpu.memory_space<vmem>>, vector<1x400x32xf32>
    %swap3A_314 = vector.shape_cast %swap3A_313 : vector<1x400x32xf32> to vector<400x32xf32>
    %swap3A_315 = vector.shape_cast %get3A_303 : vector<400x32xf32> to vector<1x400x32xf32>
    tpu.vector_store %arg8[%swap3A_310, %swap3A_311, %swap3A_312], %swap3A_315 {strides = array<i32>} : memref<4x400x128xf32, #tpu.memory_space<vmem>>, vector<1x400x32xf32>,
    %get3A_316 = arith.constant 0 : index
    %get3A_317 = arith.constant 224 : index
    %get3A_318 = vector.load %arg2[%get3A_316, %get3A_317] : memref<400x384xf32, #tpu.memory_space<vmem>>, vector<400x32xf32>
    %swap3A_319 = arith.constant 3 : index
    %swap3A_320 = arith.constant 0 : index
    %swap3A_321 = arith.constant 128 : index
    %swap3A_322 = vector.load %arg7[%swap3A_319, %swap3A_320, %swap3A_321] : memref<4x400x256xf32, #tpu.memory_space<vmem>>, vector<1x400x32xf32>
    %swap3A_323 = vector.shape_cast %swap3A_322 : vector<1x400x32xf32> to vector<400x32xf32>
    %swap3A_324 = vector.shape_cast %get3A_318 : vector<400x32xf32> to vector<1x400x32xf32>
    tpu.vector_store %arg7[%swap3A_319, %swap3A_320, %swap3A_321], %swap3A_324 {strides = array<i32>} : memref<4x400x256xf32, #tpu.memory_space<vmem>>, vector<1x400x32xf32>,
    %swap3A_325 = arith.constant 3 : index
    %swap3A_326 = arith.constant 0 : index
    %swap3A_327 = arith.constant 64 : index
    %swap3A_328 = vector.load %arg8[%swap3A_325, %swap3A_326, %swap3A_327] : memref<4x400x128xf32, #tpu.memory_space<vmem>>, vector<1x400x32xf32>
    %swap3A_329 = vector.shape_cast %swap3A_328 : vector<1x400x32xf32> to vector<400x32xf32>
    %swap3A_330 = vector.shape_cast %get3A_318 : vector<400x32xf32> to vector<1x400x32xf32>
    tpu.vector_store %arg8[%swap3A_325, %swap3A_326, %swap3A_327], %swap3A_330 {strides = array<i32>} : memref<4x400x128xf32, #tpu.memory_space<vmem>>, vector<1x400x32xf32>,
    %get3A_331 = arith.constant 0 : index
    %get3A_332 = arith.constant 352 : index
    %get3A_333 = vector.load %arg2[%get3A_331, %get3A_332] : memref<400x384xf32, #tpu.memory_space<vmem>>, vector<400x32xf32>
    %swap3A_334 = arith.constant 3 : index
    %swap3A_335 = arith.constant 0 : index
    %swap3A_336 = arith.constant 160 : index
    %swap3A_337 = vector.load %arg7[%swap3A_334, %swap3A_335, %swap3A_336] : memref<4x400x256xf32, #tpu.memory_space<vmem>>, vector<1x400x32xf32>
    %swap3A_338 = vector.shape_cast %swap3A_337 : vector<1x400x32xf32> to vector<400x32xf32>
    %swap3A_339 = vector.shape_cast %get3A_333 : vector<400x32xf32> to vector<1x400x32xf32>
    tpu.vector_store %arg7[%swap3A_334, %swap3A_335, %swap3A_336], %swap3A_339 {strides = array<i32>} : memref<4x400x256xf32, #tpu.memory_space<vmem>>, vector<1x400x32xf32>,
    %swap3A_340 = arith.constant 3 : index
    %swap3A_341 = arith.constant 0 : index
    %swap3A_342 = arith.constant 96 : index
    %swap3A_343 = vector.load %arg8[%swap3A_340, %swap3A_341, %swap3A_342] : memref<4x400x128xf32, #tpu.memory_space<vmem>>, vector<1x400x32xf32>
    %swap3A_344 = vector.shape_cast %swap3A_343 : vector<1x400x32xf32> to vector<400x32xf32>
    %swap3A_345 = vector.shape_cast %get3A_333 : vector<400x32xf32> to vector<1x400x32xf32>
    tpu.vector_store %arg8[%swap3A_340, %swap3A_341, %swap3A_342], %swap3A_345 {strides = array<i32>} : memref<4x400x128xf32, #tpu.memory_space<vmem>>, vector<1x400x32xf32>,
    %broadcast_in_dim3A_346 = arith.constant 0.000000e+00 : f32
    %broadcast_in_dim3A_347 = vector.broadcast %broadcast_in_dim3A_346 : f32 to vector<400x64xf32>
    %swap3A_348 = arith.constant 3 : index
    %swap3A_349 = arith.constant 0 : index
    %swap3A_350 = arith.constant 192 : index
    %swap3A_351 = vector.load %arg7[%swap3A_348, %swap3A_349, %swap3A_350] : memref<4x400x256xf32, #tpu.memory_space<vmem>>, vector<1x400x64xf32>
    %swap3A_352 = vector.shape_cast %swap3A_351 : vector<1x400x64xf32> to vector<400x64xf32>
    %swap3A_353 = vector.shape_cast %broadcast_in_dim3A_347 : vector<400x64xf32> to vector<1x400x64xf32>
    tpu.vector_store %arg7[%swap3A_348, %swap3A_349, %swap3A_350], %swap3A_353 {strides = array<i32>} : memref<4x400x256xf32, #tpu.memory_space<vmem>>, vector<1x400x64xf32>,
    return
  }
  func.func @transform_0(%arg0: i32) -> (i32, i32) {
    %c0_i32 = arith.constant 0 : i32
    %c0_i32_0 = arith.constant 0 : i32
    return %arg0, %c0_i32 : i32, i32
  }
  func.func @transform_1(%arg0: i32) -> (i32, i32) {
    %c0_i32 = arith.constant 0 : i32
    %c0_i32_0 = arith.constant 0 : i32
    return %arg0, %c0_i32 : i32, i32
  }
  func.func @transform_2(%arg0: i32) -> (i32, i32) {
    %c0_i32 = arith.constant 0 : i32
    %c0_i32_0 = arith.constant 0 : i32
    %c0_i32_1 = arith.constant 0 : i32
    return %c0_i32, %c0_i32_0 : i32, i32
  }
  func.func @transform_3(%arg0: i32) -> (i32, i32) {
    %c0_i32 = arith.constant 0 : i32
    %c0_i32_0 = arith.constant 0 : i32
    %c0_i32_1 = arith.constant 0 : i32
    return %c0_i32, %c0_i32_0 : i32, i32
  }
  func.func @transform_4(%arg0: i32) -> (i32, i32) {
    %c0_i32 = arith.constant 0 : i32
    %c0_i32_0 = arith.constant 0 : i32
    %c0_i32_1 = arith.constant 0 : i32
    return %c0_i32, %c0_i32_0 : i32, i32
  }
  func.func @transform_5(%arg0: i32) -> (i32, i32) {
    %c0_i32 = arith.constant 0 : i32
    %c0_i32_0 = arith.constant 0 : i32
    %c0_i32_1 = arith.constant 0 : i32
    return %c0_i32, %c0_i32_0 : i32, i32
  }
  func.func @transform_6(%arg0: i32) -> (i32, i32, i32) {
    %c0_i32 = arith.constant 0 : i32
    %c0_i32_0 = arith.constant 0 : i32
    %c0_i32_1 = arith.constant 0 : i32
    return %c0_i32, %arg0, %c0_i32_0 : i32, i32, i32
  }
  func.func @transform_7(%arg0: i32) -> (i32, i32, i32) {
    %c0_i32 = arith.constant 0 : i32
    %c0_i32_0 = arith.constant 0 : i32
    %c0_i32_1 = arith.constant 0 : i32
    return %c0_i32, %arg0, %c0_i32_0 : i32, i32, i32
  }
}

</mosaic_0001>

<sc_bundles>
// kernel: kernel.5.cloned.1.call-start
scs
__scs_entry_jumppad:
0x0: {  	(pc) =	sbr.rel $0x88, $3  }
0x1: {  	(tag) =	ssettag $0x0;
	lr =	simm.s32 $0x1  }
0x2: {  	[smem:$0x3F97] =	sst lr;
	_ =	strace $0xD0000000  }
0x3: {  	_ = 	snop  }
0x4: {  	_ = 	snop  }
0x5: {  	_ = 	snop  }
0x6: {  	_ = 	snop  }
0x7: {  	_ = 	snop  }
__scs_overlays_trampoline_lowered:
0x8: {  	[smem:$0x3FA6] =	sst s0  }
0x9: {  	[smem:$0x3FA7] =	sst s1  }
0xa: {  	[smem:$0x3FA8] =	sst s2  }
0xb: {  	[smem:$0x3FA9] =	sst s3  }
0xc: {  	[smem:$0x3FAA] =	sst s4  }
0xd: {  	[smem:$0x3FAB] =	sst s5  }
0xe: {  	[smem:$0x3FAC] =	sst s6  }
0xf: {  	[smem:$0x3FAD] =	sst s7  }
0x10: {  	[smem:$0x3FAE] =	sst s8  }
0x11: {  	[smem:$0x3FAF] =	sst s9;
	s0 =	simm.s32 @!p0 $0x0  }
0x12: {  	s1 =	sld [smem:$0x3F95];
	s0 =	simm.s32 @p0 $0x1  }
0x13: {  	[smem:$0x3FB0] =	sst s0;
	s0 =	simm.s32 @!p1 $0x0  }
0x14: {  	s2 =	sld [smem:$0x3F94];
	s0 =	simm.s32 @p1 $0x1  }
0x15: {  	[smem:$0x3FB1] =	sst s0;
	s0 =	simm.s32 @!p2 $0x0  }
0x16: {  	s3 =	sld [smem:$0x3FDB];
	s0 =	simm.s32 @p2 $0x1  }
0x17: {  	s4 =	simm.s32 $0x1BF5;
	[smem:$0x3FB3] =	sst s0  }
0x18: {  	s0 =	sld [smem:$0x3F96];
	_ =	swait.ge [sflag:s4], $0x0  }
0x19: {  	s7 =	sld [smem:$0x3F97]  }
0x1a: {  	s8 =	sadd.s32 $0xFFFFE003, lr  }
0x1b: {  	s9 =	sadd.s32 $0xFFFFFEF7, lr;
	s5 =	simm.s32 $0xFFFFFFFF;
	p2 =	slt.u32 s8, $0xFFFFF086  }
0x1c: {  	p1 =	slt.u32 s9, $0xF7A;
	s5 =	simm.s32 @!p2 $0x0  }
0x1d: {  	s5 =	simm.s32 @p1 $0x1;
	p0 =	seq.s32 s7, s2  }
0x1e: {  	s7 =	smul.u32 @!p0 $0xF7A, s2;
	p2 =	seq.s32 @!p0 s5, $0x0  }
0x1f: {  	s9 =	smul.u32 $0xF7A, s1;
	s8 =	simm.s32 @!p0 $0x1BF5;
	p2 =	por !p2, p0  }
0x20: {  	[sflag:s8] =	ssyncset.s32 @!p0 $0xFFFFF086;
	s6 =	sadd.s32 @!p0 s3, s7;
	s7 =	simm.s32 @!p0 $0x108  }
0x21: {  	s3 =	sadd.s32 s3, s9;
	s6 =	sadd.s32 @!p0 $0x88, s6;
	s7 =	simm.s32 @p2 $0x1082  }
0x22: {  	[simem:s7], [sflag:s8] =	dma.local @!p0 [hbm:s6], $0xF7A  }
0x23: {  	s9 =	sor.u32 $0xD0000000, s2;
	s6 =	simm.s32 $0x108;
	_ =	swait.ge @!p0 [sflag:s8], $0x0  }
0x24: {  	s3 =	sadd.s32 $0x88, s3;
	s6 =	simm.s32 @!p1 $0x1082;
	[sflag:s4] =	ssyncset.s32 $0xFFFFF086  }
0x25: {  	[simem:s6], [sflag:s4] =	dma.local [hbm:s3], $0xF7A  }
0x26: {  	[smem:$0x3F97] =	sst s1;
	(tag) =	ssettag s2;
	_ =	strace s9  }
0x27: {  	s1 =	sld [smem:$0x3FA7]  }
0x28: {  	s2 =	sld [smem:$0x3FA8]  }
0x29: {  	s4 =	sld [smem:$0x3FAA]  }
0x2a: {  	p0 =	seq.s32 s5, $0x0;
	s5 =	sld [smem:$0x3FAB]  }
0x2b: {  	s6 =	sld [smem:$0x3FAC]  }
0x2c: {  	s7 =	sld [smem:$0x3FAD]  }
0x2d: {  	s3 =	simm.s32 $0x108;
	s8 =	sld [smem:$0x3FAE]  }
0x2e: {  	s3 =	simm.s32 @!p0 $0x1082;
	s9 =	sld [smem:$0x3FAF]  }
0x2f: {  	lr =	sadd.s32 s0, s3;
	s0 =	sld [smem:$0x3FA6]  }
0x30: {  	s3 =	sld [smem:$0x3FA9]  }
0x31: {  	[smem:$0x3FB2] =	sst s10  }
0x32: {  	s10 =	sld [smem:$0x3FB0];
	_ =	sdelay $0x3  }
0x33: {  	p0 =	seq.s32 s10, $0x1;
	s10 =	sld [smem:$0x3FB2];
	_ =	sdelay $0x3  }
0x34: {  	[smem:$0x3FB2] =	sst s10  }
0x35: {  	s10 =	sld [smem:$0x3FB1];
	_ =	sdelay $0x3  }
0x36: {  	p1 =	seq.s32 s10, $0x1;
	s10 =	sld [smem:$0x3FB2];
	_ =	sdelay $0x3  }
0x37: {  	[smem:$0x3FB2] =	sst s10  }
0x38: {  	s10 =	sld [smem:$0x3FB3]  }
0x39: {  	_ = 	snop;
	(pc) =	sbr.ind lr, $3  }
0x3a: {  	_ = 	snop  }
0x3b: {  	_ = 	snop  }
0x3c: {  	p2 =	seq.s32 s10, $0x1;
	s10 =	sld [smem:$0x3FB2]  }
0x3d: {  	_ =	shalt  }
0x3e: {  	_ =	shalt  }
0x3f: {  	_ =	shalt  }
0x40: {  	_ =	shalt  }
0x41: {  	_ =	shalt  }
0x42: {  	_ =	shalt  }
0x43: {  	_ =	shalt  }
0x44: {  	_ =	shalt  }
0x45: {  	_ =	shalt  }
0x46: {  	_ =	shalt  }
0x47: {  	_ =	shalt  }
0x48: {  	_ =	shalt  }
0x49: {  	_ =	shalt  }
0x4a: {  	_ =	shalt  }
0x4b: {  	_ =	shalt  }
0x4c: {  	_ =	shalt  }
0x4d: {  	_ =	shalt  }
0x4e: {  	_ =	shalt  }
0x4f: {  	_ =	shalt  }
0x50: {  	_ =	shalt  }
0x51: {  	_ =	shalt  }
0x52: {  	_ =	shalt  }
0x53: {  	_ =	shalt  }
0x54: {  	_ =	shalt  }
0x55: {  	_ =	shalt  }
0x56: {  	_ =	shalt  }
0x57: {  	_ =	shalt  }
0x58: {  	_ =	shalt  }
0x59: {  	_ =	shalt  }
0x5a: {  	_ =	shalt  }
0x5b: {  	_ =	shalt  }
0x5c: {  	_ =	shalt  }
0x5d: {  	_ =	shalt  }
0x5e: {  	_ =	shalt  }
0x5f: {  	_ =	shalt  }
0x60: {  	_ =	shalt  }
0x61: {  	_ =	shalt  }
0x62: {  	_ =	shalt  }
0x63: {  	_ =	shalt  }
0x64: {  	_ =	shalt  }
0x65: {  	_ =	shalt  }
0x66: {  	_ =	shalt  }
0x67: {  	_ =	shalt  }
0x68: {  	_ =	shalt  }
0x69: {  	_ =	shalt  }
0x6a: {  	_ =	shalt  }
0x6b: {  	_ =	shalt  }
0x6c: {  	_ =	shalt  }
0x6d: {  	_ =	shalt  }
0x6e: {  	_ =	shalt  }
0x6f: {  	_ =	shalt  }
0x70: {  	_ =	shalt  }
0x71: {  	_ =	shalt  }
0x72: {  	_ =	shalt  }
0x73: {  	_ =	shalt  }
0x74: {  	_ =	shalt  }
0x75: {  	_ =	shalt  }
0x76: {  	_ =	shalt  }
0x77: {  	_ =	shalt  }
0x78: {  	_ =	shalt  }
0x79: {  	_ =	shalt  }
0x7a: {  	_ =	shalt  }
0x7b: {  	_ =	shalt  }
0x7c: {  	_ =	shalt  }
0x7d: {  	_ =	shalt  }
0x7e: {  	_ =	shalt  }
0x7f: {  	_ =	shalt  }
0x80: {  	_ =	shalt  }
0x81: {  	_ =	shalt  }
0x82: {  	_ =	shalt  }
0x83: {  	_ =	shalt  }
0x84: {  	_ =	shalt  }
0x85: {  	_ =	shalt  }
0x86: {  	_ =	shalt  }
0x87: {  	_ =	shalt  }
.Lfunc_end0:
.L_simem_size_0:
called_computation_lowered:
.L_overlay_start_0:
0x88: {  	s2 =	sld [smem:$0x3FD9]  }
0x89: {  	s3 =	sld [smem:$0x3FFE];
	_ =	sdelay $0x1  }
0x8a: {  	s1 =	srdreg.scid  }
0x8b: {  	s0 =	sand.u32 $0x1, s1  }
0x8c: {  	s14 =	sshll.u32 s0, $0xA;
	s2 =	sadd.s32 s3, s2  }
0x8d: {  	s2 =	sadd.s32 s2, s14  }
0x8e: {  	[smem:$0x3FBE] =	sst s2  }
0x8f: {  	_ = 	snop  }
0x90: {  	s2 =	sld [smem:$0x3FD0];
	_ =	sdelay $0x2  }
0x91: {  	s15 =	simm.s32 $0xA;
	s4 =	simm.s32 $0x10  }
0x92: {  	[smem:s4], [sflag:s15] =	dma.local [hbm:s2], $0x1  }
0x93: {  	_ =	swait.eq [sflag:s15], $0x1  }
0x94: {  	[sflag:s15] =	ssyncset.done $0x0  }
0x95: {  	[sflag:s15] =	ssyncadd.s32 $0xFFFFFFFF  }
0x96: {  	s16 =	sld [smem:$0x10];
	(tm) =	ssettm $0x1  }
0x97: {  	s17 =	sld [smem:$0x3FFB];
	_ =	sdelay $0x3  }
0x98: {  	_ =	strace s17  }
0x99: {  	s3 =	sld [smem:$0x3FFC];
	_ =	sdelay $0x3  }
0x9a: {  	_ =	strace s3  }
0x9b: {  	s3 =	sld [smem:$0x3FFD];
	_ =	sdelay $0x3  }
0x9c: {  	_ =	strace s3  }
0x9d: {  	_ =	strace $0x8FFFFFFF  }
0x9e: {  	s18 =	sld [smem:$0x3FDB];
	_ =	sdelay $0x1  }
0x9f: {  	s19 =	simm.s32 $_scs_section_size  }
0xa0: {  	s5 =	simm.s32 $_size__tile_overlayer_lowered;
	s6 =	simm.s32 $_tile_overlayer_lowered  }
0xa1: {  	s22 =	simm.s32 $0x1BFF;
	s21 =	sshll.u32 s6, $0x1;
	s3 =	sadd.s32 s19, s18  }
0xa2: {  	s7 =	simm.s32 $0x0;
	s20 =	sshll.u32 s5, $0x1;
	s5 =	sadd.s32 s21, s3  }
0xa3: {  	[timem:s7], [sflag:s22] =	dma.local [hbm:s5], s20  }
0xa4: {  	_ =	swait.ge [sflag:s22], s20  }
0xa5: {  	s4 =	ssub.s32 $0x0, s20;
	[sflag:s22] =	ssyncset.done $0x0  }
0xa6: {  	[sflag:s22] =	ssyncadd.s32 s4;
	_ =	sdelay $0x1  }
0xa7: {  	s23 =	simm.s32 $0x1B8B  }
0xa8: {  	_ =	swait.ge [sflag:s23], $0x1  }
0xa9: {  	[sflag:s23] =	ssyncset.done $0x0  }
0xaa: {  	s25 =	simm.s32 $0x1B8E;
	s24 =	sld [smem:$0x3FFE];
	[sflag:s23] =	ssyncadd.s32 $0xFFFFFFFF  }
0xab: {  	s26 =	simm.s32 $execute0_lowered;
	[smem:$0x3FD2] =	sst s25  }
0xac: {  	s5 =	sshll.u32 s26, $0x1;
	_ =	strace $0x80000046;
	[dreg:$0x1] =	wrdreg $0xFFFFFFFF  }
0xad: {  	s28 =	simm.s32 $_size_execute0_lowered;
	s3 =	sadd.s32 s3, s5;
	[dreg:$0x0] =	wrdreg $0x0  }
0xae: {  	s5 =	sshll.u32 s28, $0x1;
	[dreg:$0x2] =	wrdreg s3  }
0xaf: {  	[dreg:$0x3] =	wrdreg s5  }
0xb0: {  	[dreg:$0x4] =	wrdreg $0xC0  }
0xb1: {  	_ =	task [dreg:s7], $0x5FFFF  }
0xb2: {  	[dreg:$0x1] =	wrdreg $0xFFFFFFFF  }
0xb3: {  	[dreg:$0x0] =	wrdreg $0x60  }
0xb4: {  	[dreg:$0x2] =	wrdreg s24  }
0xb5: {  	[dreg:$0x3] =	wrdreg s16  }
0xb6: {  	[dreg:$0x4] =	wrdreg $0x0  }
0xb7: {  	[dreg:$0x5] =	wrdreg $0x9  }
0xb8: {  	_ =	task.clear_ibuf [dreg:s7], $0x6FFFF;
	_ =	strace $0x90000046  }
0xb9: {  	s29 =	simm.s32 $0x9;
	_ =	strace $0x80000048  }
0xba: {  	_ =	swait.ge [sflag:s29], $0x1  }
0xbb: {  	[sflag:s29] =	ssyncadd.s32 $0xFFFFFFFF  }
0xbc: {  	_ =	strace $0x90000048  }
0xbd: {  	_ =	sfence  }
0xbe: {  	s30 =	sld [smem:$0x0];
	_ =	sdelay $0x2  }
0xbf: {  	s31 =	sshll.u32 s1, $0xD;
	s1 =	sshrl.u32 s1, $0x2  }
0xc0: {  	s3 =	sand.u32 $0x4000, s31;
	s1 =	sadd.s32 s1, s30  }
0xc1: {  	s0 =	sor.u32 s3, s0;
	s1 =	sshll.u32 s1, $0x11  }
0xc2: {  	s0 =	sor.u32 s1, s0  }
0xc3: {  	s0 =	sadd.s32 $0x8F2B, s0  }
0xc4: {  	[sflag:s0] =	ssyncadd.remote.s32 $0x1  }
0xc5: {  	_ =	sfence.sel $0xFFFF  }
0xc6: {  	[dreg:$0x0] =	wrdreg $0xFFFFFFFF;
	(pc) =	sbr.abs _section_cstart, $3  }
0xc7: {  	[dreg:$0x1] =	wrdreg $0xFFFFFFFF  }
0xc8: {  	_ =	task.clear_ibuf [dreg:s7], $0x2FFFF;
	_ =	strace $0x9FFFFFFF  }
0xc9: {  	(tm) =	ssettm $0x7FFFFFFF  }
tec
execute0_lowered:
.L_overlay_start_1:
0x0: {  	(tag) =	ssettag $0x1  }
0x1: {  	s0 =	rddreg [dreg:$0x0]  }
0x2: {  	s1 =	rddreg [dreg:$0x1]  }
0x3: {  	s2 =	rddreg [dreg:$0x2]  }
0x4: {  	s3 =	simm.s32 $0x0;
	s4 =	srdreg.scid;
	s21 =	simm.s32 $0x1  }
0x5: {  	s28 =	simm.s32 $0x18880;
	s29 =	simm.s32 $0x19080;
	s30 =	simm.s32 $0x19880  }
0x6: {  	s31 =	simm.s32 $0x1A080;
	[smem:$0x7FF] =	sst s3;
	s7 =	sand.u32 $0x1, s4  }
0x7: {  	s4 =	stileid.u32;
	s5 =	sadd.s32 $0x4E6C00, s0;
	s11 =	sadd.s32 $0x13B200, s0  }
0x8: {  	s6 =	sadd.s32 $0x2A00, s0;
	s0 =	sadd.s32 $0x1D7600, s0;
	s8 =	smul.u32 $0x271000, s7  }
0x9: {  	s24 =	sadd.s32 $0x138000, s2;
	_ =	strace $0x80000047;
	s10 =	smul.u32 $0x13800, s4  }
0xa: {  	s9 =	smul.u32 $0x4E000, s4;
	s12 =	ssub.s32 $0x2, s7;
	s15 =	sshllo.u32 s7, $0x1  }
0xb: {  	s23 =	sshll.u32 s4, $0x6;
	[dreg:$0x6] =	wrdreg s24;
	s18 =	smul.u32 $0x4E20, s7  }
0xc: {  	p0 =	sne.s32 s4, $0xF;
	s24 =	simm.s32 $0x13880;
	s16 =	smul.u32 $0x138800, s15  }
0xd: {  	s14 =	sshrl.u32 s12, $0x1;
	s20 =	smul.u32 $0x2710, s15;
	s13 =	sadd.s32 s10, s8  }
0xe: {  	s9 =	sshrl.u32 s9, $0x2;
	s14 =	ssub.s32 s12, s14;
	s8 =	sshrl.u32 s8, $0x3  }
0xf: {  	s12 =	smul.u32 $0x9C40000, s7;
	s13 =	sshrl.u32 s13, $0x3;
	s9 =	sadd.s32 s9, s2  }
0x10: {  	s8 =	sadd.s32 $0x27000, s8;
	[dreg:$0x4] =	wrdreg s9;
	s22 =	sadd.s32 s11, s13  }
0x11: {  	s17 =	sshrl.u32 s16, $0x3;
	s25 =	sadd.s32 s11, s8;
	[dreg:$0x5] =	wrdreg s22  }
0x12: {  	s9 =	sor.u32 $0x1C01, s23;
	s26 =	sadd.s32 s0, s13;
	[dreg:$0x7] =	wrdreg s25  }
0x13: {  	s13 =	sadd.s32 s10, s16;
	s8 =	sadd.s32 s0, s8;
	[dreg:$0x8] =	wrdreg s26  }
0x14: {  	s23 =	simm.s32 $0x2;
	s10 =	simm.s32 $0x40;
	[dreg:$0x9] =	wrdreg s8  }
0x15: {  	s7 =	sshrl.u32 s13, $0x3;
	s8 =	sadd.s32 $0x27000, s17;
	s17 =	smul.u32 $0x4E20000, s15  }
0x16: {  	s26 =	smax.u32 s14, $0x1;
	s22 =	simm.s32 $0x1D880;
	s25 =	simm.s32 $0x17880  }
.Ltmp0:
0x17: {  	s19 =	sadd.s32 s11, s7;
	[dreg:$0xe] =	wrdreg s26;
	(pc) =	sbr.rel .LBB2_1-.Ltmp0, $4  }
0x18: {  	s13 =	simm.s32 $0x1B880;
	s11 =	sadd.s32 s11, s8;
	[dreg:$0xa] =	wrdreg s19  }
0x19: {  	v4 =	vlaneseq.u32;
	vm0 =	vmmov $0xffff;
	s7 =	sadd.s32 s0, s7;
	s0 =	sadd.s32 s0, s8;
	[dreg:$0xb] =	wrdreg s11  }
0x1a: {  	v2 =	vand.u32 $0x7, v4;
	v3 =	vshrl.u32 v4, $0x3;
	v4 =	vor.u32 $0x8, v4;
	s26 =	simm.s32 $0x18080;
	s8 =	simm.s32 $0x1B080;
	[dreg:$0xc] =	wrdreg s7  }
0x1b: {  	v3 =	vmul.u32 $0x8, v3;
	v0 =	vmov s18;
	v1 =	vmov s20;
	[dreg:$0xd] =	wrdreg s0;
	s0 =	simm.s32 $0x1A880;
	s11 =	simm.s32 $0x1D980  }
.LBB2_13:
0x1c: {  	[bflag:$0x0] =	sbarrier.arrive $0xFFFF  }
0x1d: {  	s7 =	rddreg [dreg:$0xc]  }
0x1e: {  	s14 =	rddreg [dreg:$0xf]  }
0x1f: {  	[hbm:s7], [sflag:s9] =	dma.local [spmem:s14], $0x2700  }
0x20: {  	_ =	swait.ge [sflag:s21], $0x2700  }
0x21: {  	[sflag:s21] =	ssyncset.done $0x0;
	s7 =	rddreg [dreg:$0xd]  }
0x22: {  	s14 =	rddreg [dreg:$0x10];
	[sflag:s21] =	ssyncadd.s32 $0xFFFFD900  }
0x23: {  	[hbm:s7], [sflag:s9] =	dma.local @!p0 [spmem:s14], $0x100  }
0x24: {  	s7 =	simm.s32 @!p0 $0x1  }
0x25: {  	_ =	swait.ge @!p0 [sflag:s7], $0x100  }
0x26: {  	s3 =	sadd.s32 $0x1, s3;
	s20 =	rddreg [dreg:$0xe]  }
0x27: {  	p1 =	sne.s32 s3, s20  }
.Ltmp1:
0x28: {  	_ = 	snop;
	(pc) =	sbr.rel @!p1 .LBB2_14-.Ltmp1, $3  }
0x29: {  	[sflag:s7] =	ssyncset.done @!p0 $0x0  }
0x2a: {  	[sflag:s7] =	ssyncadd.s32 @!p0 $0xFFFFFF00  }
0x2b: {  	[bflag:$0x0] =	sbarrier.arrive $0xFFFF;
	_ =	sdelay $0x1  }
.LBB2_1:
0x2c: {  	s7 =	rddreg [dreg:$0x4]  }
0x2d: {  	s20 =	rddreg [dreg:$0x5];
	s14 =	sshrl.u32 s7, $0x3  }
0x2e: {  	[dreg:$0xf] =	wrdreg s14  }
0x2f: {  	[spmem:s14], [sflag:s9] =	dma.local [hbm:s20], $0x2700  }
0x30: {  	_ =	swait.ge [sflag:s21], $0x2700  }
0x31: {  	s7 =	rddreg [dreg:$0x6]  }
0x32: {  	[sflag:s21] =	ssyncset.done $0x0;
	s14 =	sshrl.u32 @!p0 s7, $0x3;
	s7 =	rddreg [dreg:$0x7]  }
0x33: {  	[sflag:s21] =	ssyncadd.s32 $0xFFFFD900;
	[dreg:$0x10] =	wrdreg s14  }
0x34: {  	[spmem:s14], [sflag:s9] =	dma.local @!p0 [hbm:s7], $0x100  }
0x35: {  	s7 =	simm.s32 @!p0 $0x1  }
.Ltmp2:
0x36: {  	_ =	swait.ge @!p0 [sflag:s7], $0x100;
	(pc) =	sbr.rel .LBB2_2-.Ltmp2, $4  }
0x37: {  	[sflag:s7] =	ssyncset.done @!p0 $0x0  }
0x38: {  	[sflag:s7] =	ssyncadd.s32 @!p0 $0xFFFFFF00  }
0x39: {  	[bflag:$0x0] =	sbarrier.arrive $0xFFFF  }
0x3a: {  	s18 =	simm.s32 $0x0  }
.LBB2_6:
0x3b: {  	s18 =	sadd.s32 $0x1, s18  }
0x3c: {  	p1 =	sne.s32 s18, $0x139  }
.Ltmp3:
0x3d: {  	_ = 	snop;
	(pc) =	sbr.rel @!p1 .LBB2_7-.Ltmp3, $1  }
0x3e: {  	_ =	sdelay $0x3  }
.LBB2_2:
0x3f: {  	s7 =	sshll.u32 s18, $0x4  }
0x40: {  	s7 =	sor.u32 s4, s7  }
0x41: {  	p1 =	sgt.u32 s7, $0x1387  }
.Ltmp4:
0x42: {  	_ = 	snop;
	(pc) =	sbr.rel @p1 .LBB2_6-.Ltmp4, $1  }
0x43: {  	_ =	sdelay $0x3  }
0x44: {  	s14 =	sshll.u32 s7, $0x5  }
0x45: {  	s19 =	simm.s32 $0x0;
	s15 =	sshll.u32 s7, $0xE;
	s14 =	sadd.s32 s1, s14  }
0x46: {  	[tilespmem:s22], [sflag:$0x2] =	stream.linear.gather [hbm4b:s14+s19], $0x100, $0x38;
	[tilespmem:$0x1DA80] =	vst v63  }
0x47: {  	s7 =	sadd.s32 s12, s15;
	_ =	swait.ge [sflag:s23], $0x100  }
0x48: {  	s7 =	sshrl.u32 s7, $0x3;
	[sflag:s23] =	ssyncset.done $0x0  }
0x49: {  	s7 =	sadd.s32 s5, s7;
	[sflag:s23] =	ssyncadd.s32 $0xFFFFFF00  }
0x4a: {  	[tilespmem:s24], [sflag:$0x2] =	stream.linear.gather [hbm4b:s7+s19], $0x4000, $0x38;
	[tilespmem:$0x1DA80] =	vst v63  }
0x4b: {  	_ =	swait.ge [sflag:s23], $0x4000  }
0x4c: {  	[sflag:s23] =	ssyncset.done $0x0  }
0x4d: {  	[sflag:s23] =	ssyncadd.s32 $0xFFFFC000  }
0x4e: {  	v5 =	vld [tilespmem:$0x1D900];
	_ =	sdelay $0x4  }
0x4f: {  	v5 =	vadd.s32 v0, v5  }
0x50: {  	[tilespmem:$0x1DA00] =	vst v5  }
0x51: {  	v5 =	vld [tilespmem:$0x1DA00];
	_ =	sdelay $0x1  }
0x52: {  	v6 =	vld [tilespmem:$0x1D880]  }
0x53: {  	v7 =	vld [tilespmem:$0x1D890]  }
0x54: {  	v8 =	vld [tilespmem:$0x1D910]  }
0x55: {  	v9 =	vld [tilespmem:$0x1D8A0];
	v10 =	vshll.u32 v5, $0x1  }
0x56: {  	v11 =	vld [tilespmem:$0x1D920];
	v5 =	vand.u32 $0x7, v5;
	v10 =	vand.u32 $0xFFFFFFF0, v10  }
0x57: {  	v12 =	vld [tilespmem:$0x1D8B0];
	v5 =	vor.u32 v5, v10  }
0x58: {  	[tilespmem:$0x1D980] =	vst v6;
	v6 =	vld [tilespmem:$0x1D930];
	v10 =	vperm.xlane v5, v2  }
0x59: {  	[tilespmem:$0x1D990] =	vst v7;
	v7 =	vadd.s32 v0, v8  }
0x5a: {  	[tilespmem:$0x1DA10] =	vst v7;
	v5 =	vperm.xlane v5, v4;
	v7 =	vadd.s32 v3, v10  }
0x5b: {  	[tilespmem:$0x1D9A0] =	vst v9  }
0x5c: {  	v8 =	vadd.s32 v0, v11;
	[tilespmem:$0x1D9B0] =	vst v12;
	v5 =	vadd.s32 v3, v5  }
0x5d: {  	[tilespmem:$0x1DA20] =	vst v8;
	v6 =	vadd.s32 v0, v6  }
0x5e: {  	[tilespmem:$0x1DA30] =	vst v6  }
0x5f: {  	[tilespmem:s25], [sflag:$0x2] =	stream.indirect_vreg.gather [hbm4b:s6+s19], $0x80, v7, vm0, $0xb8;
	[tilespmem:$0x1DA80] =	vst v63  }
0x60: {  	_ = 	snop  }
0x61: {  	[tilespmem:s26], [sflag:$0x2] =	stream.indirect_vreg.gather [hbm4b:s6+s19], $0x80, v5, vm0, $0xb8;
	[tilespmem:$0x1DA80] =	vst v63  }
0x62: {  	v5 =	vld [tilespmem:$0x1DA10];
	_ =	sdelay $0x4  }
0x63: {  	v6 =	vshll.u32 v5, $0x1  }
0x64: {  	v5 =	vand.u32 $0x7, v5;
	v6 =	vand.u32 $0xFFFFFFF0, v6  }
0x65: {  	v5 =	vor.u32 v5, v6  }
0x66: {  	v6 =	vperm.xlane v5, v2;
	_ =	sdelay $0x1  }
0x67: {  	v5 =	vperm.xlane v5, v4;
	v6 =	vadd.s32 v3, v6;
	_ =	sdelay $0x1  }
0x68: {  	v5 =	vadd.s32 v3, v5;
	_ =	sdelay $0x2  }
0x69: {  	[tilespmem:s28], [sflag:$0x2] =	stream.indirect_vreg.gather [hbm4b:s6+s19], $0x80, v6, vm0, $0xb8;
	[tilespmem:$0x1DA80] =	vst v63  }
0x6a: {  	_ = 	snop  }
0x6b: {  	[tilespmem:s29], [sflag:$0x2] =	stream.indirect_vreg.gather [hbm4b:s6+s19], $0x80, v5, vm0, $0xb8;
	[tilespmem:$0x1DA80] =	vst v63  }
0x6c: {  	v5 =	vld [tilespmem:$0x1DA20];
	_ =	sdelay $0x4  }
0x6d: {  	v6 =	vshll.u32 v5, $0x1  }
0x6e: {  	v5 =	vand.u32 $0x7, v5;
	v6 =	vand.u32 $0xFFFFFFF0, v6  }
0x6f: {  	v5 =	vor.u32 v5, v6  }
0x70: {  	v6 =	vperm.xlane v5, v2;
	_ =	sdelay $0x1  }
0x71: {  	v5 =	vperm.xlane v5, v4;
	v6 =	vadd.s32 v3, v6;
	_ =	sdelay $0x1  }
0x72: {  	v5 =	vadd.s32 v3, v5;
	_ =	sdelay $0x2  }
0x73: {  	[tilespmem:s30], [sflag:$0x2] =	stream.indirect_vreg.gather [hbm4b:s6+s19], $0x80, v6, vm0, $0xb8;
	[tilespmem:$0x1DA80] =	vst v63  }
0x74: {  	_ = 	snop  }
0x75: {  	[tilespmem:s31], [sflag:$0x2] =	stream.indirect_vreg.gather [hbm4b:s6+s19], $0x80, v5, vm0, $0xb8;
	[tilespmem:$0x1DA80] =	vst v63  }
0x76: {  	v5 =	vld [tilespmem:$0x1DA30];
	_ =	sdelay $0x4  }
0x77: {  	v6 =	vshll.u32 v5, $0x1  }
0x78: {  	v5 =	vand.u32 $0x7, v5;
	v6 =	vand.u32 $0xFFFFFFF0, v6  }
0x79: {  	v5 =	vor.u32 v5, v6  }
0x7a: {  	v6 =	vperm.xlane v5, v2;
	_ =	sdelay $0x1  }
0x7b: {  	v5 =	vperm.xlane v5, v4;
	v6 =	vadd.s32 v3, v6;
	_ =	sdelay $0x1  }
0x7c: {  	v5 =	vadd.s32 v3, v5;
	_ =	sdelay $0x2  }
0x7d: {  	[tilespmem:s0], [sflag:$0x2] =	stream.indirect_vreg.gather [hbm4b:s6+s19], $0x80, v6, vm0, $0xb8;
	[tilespmem:$0x1DA80] =	vst v63  }
0x7e: {  	_ = 	snop  }
0x7f: {  	[tilespmem:s8], [sflag:$0x2] =	stream.indirect_vreg.gather [hbm4b:s6+s19], $0x80, v5, vm0, $0xb8;
	[tilespmem:$0x1DA80] =	vst v63  }
0x80: {  	_ =	swait.ge [sflag:s23], $0x4000  }
0x81: {  	s16 =	sand.u32 $0x3800, s19;
	s20 =	sand.u32 $0x380, s19;
	[sflag:s23] =	ssyncset.done $0x0  }
0x82: {  	s15 =	sor.u32 s20, s16;
	[sflag:s23] =	ssyncadd.s32 $0xFFFFC000  }
0x83: {  	v5 =	vld [tilespmem:s15+$0x13880]  }
0x84: {  	v6 =	vld [tilespmem:s15+$0x17880];
	_ =	sdelay $0x4  }
0x85: {  	v5 =	vmul.f32 v5, v6  }
0x86: {  	s20 =	simm.s32 $0x1B8C0;
	v7 =	vld [tilespmem:s15+$0x178C0]  }
0x87: {  	v6 =	vld [tilespmem:s15+$0x178A0];
	[tilespmem:s20+$0xFFFFFFC0] =	vst v5  }
0x88: {  	v5 =	vld [tilespmem:s15+$0x13C80]  }
0x89: {  	v8 =	vld [tilespmem:s15+$0x178E0]  }
0x8a: {  	v62 =	vld [tilespmem:s15+$0x138A0];
	_ =	sdelay $0x2  }
0x8b: {  	v5 =	vmul.f32 v5, v7;
	_ =	sdelay $0x1  }
0x8c: {  	v7 =	vmul.f32 v62, v6;
	v8 =	vmul.f32 v8, v5;
	_ =	sdelay $0x1  }
0x8d: {  	v7 =	vadd.f32 v8, v7;
	_ =	sdelay $0x1  }
0x8e: {  	[tilespmem:s20+$0xFFFFFFE0] =	vst v7  }
0x8f: {  	v7 =	vld [tilespmem:s15+$0x138C0]  }
0x90: {  	v8 =	vld [tilespmem:s15+$0x17C80];
	_ =	sdelay $0x4  }
0x91: {  	v7 =	vmul.f32 v7, v6;
	v8 =	vmul.f32 v8, v5;
	_ =	sdelay $0x1  }
0x92: {  	v7 =	vadd.f32 v8, v7;
	_ =	sdelay $0x1  }
0x93: {  	[tilespmem:s20+$0x0] =	vst v7  }
0x94: {  	v7 =	vld [tilespmem:s15+$0x138E0]  }
0x95: {  	v8 =	vld [tilespmem:s15+$0x17CA0];
	_ =	sdelay $0x4  }
0x96: {  	v6 =	vmul.f32 v7, v6;
	v5 =	vmul.f32 v8, v5;
	_ =	sdelay $0x1  }
0x97: {  	v5 =	vadd.f32 v5, v6;
	_ =	sdelay $0x1  }
0x98: {  	[tilespmem:s20+$0x20] =	vst v5  }
0x99: {  	v5 =	vld [tilespmem:s15+$0x17890]  }
0x9a: {  	v6 =	vld [tilespmem:s15+$0x13890];
	_ =	sdelay $0x4  }
0x9b: {  	v6 =	vmul.f32 v6, v5  }
0x9c: {  	v7 =	vld [tilespmem:s15+$0x178D0]  }
0x9d: {  	v5 =	vld [tilespmem:s15+$0x178B0];
	[tilespmem:s20+$0xFFFFFFD0] =	vst v6  }
0x9e: {  	v6 =	vld [tilespmem:s15+$0x13C90]  }
0x9f: {  	v8 =	vld [tilespmem:s15+$0x138B0]  }
0xa0: {  	v63 =	vld [tilespmem:s15+$0x178F0];
	_ =	sdelay $0x2  }
0xa1: {  	v6 =	vmul.f32 v6, v7;
	_ =	sdelay $0x1  }
0xa2: {  	v7 =	vmul.f32 v8, v5;
	v8 =	vmul.f32 v63, v6;
	_ =	sdelay $0x1  }
0xa3: {  	v7 =	vadd.f32 v8, v7;
	_ =	sdelay $0x1  }
0xa4: {  	[tilespmem:s20+$0xFFFFFFF0] =	vst v7  }
0xa5: {  	v7 =	vld [tilespmem:s15+$0x138D0]  }
0xa6: {  	v8 =	vld [tilespmem:s15+$0x17C90];
	_ =	sdelay $0x4  }
0xa7: {  	v7 =	vmul.f32 v7, v5;
	v8 =	vmul.f32 v8, v6;
	_ =	sdelay $0x1  }
0xa8: {  	v7 =	vadd.f32 v8, v7;
	_ =	sdelay $0x1  }
0xa9: {  	[tilespmem:s20+$0x10] =	vst v7  }
0xaa: {  	s14 =	simm.s32 $0x100;
	s7 =	simm.s32 $0x1B8C0;
	v7 =	vld [tilespmem:s15+$0x138F0]  }
.LBB2_4:
0xab: {  	p1 =	sne.s32 s14, $0x3F00;
	v8 =	vld [tilespmem:s15+$0x17CB0];
	s19 =	sadd.s32 $0x80, s19;
	s20 =	sadd.s32 $0x80, s20  }
0xac: {  	s15 =	smov.u32 s14;
	s14 =	sadd.s32 $0x100, s14;
	_ =	sdelay $0x2  }
0xad: {  	v5 =	vmul.f32 v7, v5  }
0xae: {  	s15 =	sand.u32 $0x3800, s15;
	s16 =	sand.u32 $0x380, s19;
	v6 =	vmul.f32 v8, v6  }
0xaf: {  	s15 =	sor.u32 s16, s15  }
0xb0: {  	v5 =	vadd.f32 v6, v5;
	_ =	sdelay $0x1  }
0xb1: {  	[tilespmem:s7+$0x30] =	vst v5;
	s7 =	smov.u32 s20  }
0xb2: {  	v5 =	vld [tilespmem:s15+$0x13880]  }
0xb3: {  	v6 =	vld [tilespmem:s15+$0x17880];
	_ =	sdelay $0x4  }
0xb4: {  	v7 =	vld [tilespmem:s15+$0x178C0];
	v5 =	vmul.f32 v5, v6  }
0xb5: {  	v6 =	vld [tilespmem:s15+$0x178A0]  }
0xb6: {  	[tilespmem:s20+$0xFFFFFFC0] =	vst v5  }
0xb7: {  	v5 =	vld [tilespmem:s15+$0x13C80]  }
0xb8: {  	v8 =	vld [tilespmem:s15+$0x178E0]  }
0xb9: {  	v9 =	vld [tilespmem:s15+$0x138A0];
	_ =	sdelay $0x2  }
0xba: {  	v5 =	vmul.f32 v5, v7;
	_ =	sdelay $0x1  }
0xbb: {  	v7 =	vmul.f32 v9, v6;
	v8 =	vmul.f32 v8, v5;
	_ =	sdelay $0x1  }
0xbc: {  	v7 =	vadd.f32 v8, v7;
	_ =	sdelay $0x1  }
0xbd: {  	[tilespmem:s20+$0xFFFFFFE0] =	vst v7  }
0xbe: {  	v7 =	vld [tilespmem:s15+$0x138C0]  }
0xbf: {  	v8 =	vld [tilespmem:s15+$0x17C80];
	_ =	sdelay $0x3  }
0xc0: {  	v7 =	vmul.f32 v7, v6  }
0xc1: {  	v8 =	vmul.f32 v8, v5;
	_ =	sdelay $0x1  }
0xc2: {  	v7 =	vadd.f32 v8, v7;
	_ =	sdelay $0x1  }
0xc3: {  	[tilespmem:s20+$0x0] =	vst v7  }
0xc4: {  	v7 =	vld [tilespmem:s15+$0x138E0]  }
0xc5: {  	v8 =	vld [tilespmem:s15+$0x17CA0];
	_ =	sdelay $0x3  }
0xc6: {  	v6 =	vmul.f32 v7, v6  }
0xc7: {  	v5 =	vmul.f32 v8, v5;
	_ =	sdelay $0x1  }
0xc8: {  	v5 =	vadd.f32 v5, v6;
	_ =	sdelay $0x1  }
0xc9: {  	[tilespmem:s20+$0x20] =	vst v5  }
0xca: {  	v5 =	vld [tilespmem:s15+$0x17890]  }
0xcb: {  	v6 =	vld [tilespmem:s15+$0x13890];
	_ =	sdelay $0x4  }
0xcc: {  	v7 =	vld [tilespmem:s15+$0x178D0];
	v6 =	vmul.f32 v6, v5  }
0xcd: {  	v5 =	vld [tilespmem:s15+$0x178B0]  }
0xce: {  	[tilespmem:s20+$0xFFFFFFD0] =	vst v6  }
0xcf: {  	v6 =	vld [tilespmem:s15+$0x13C90]  }
0xd0: {  	v8 =	vld [tilespmem:s15+$0x138B0]  }
0xd1: {  	v9 =	vld [tilespmem:s15+$0x178F0];
	_ =	sdelay $0x2  }
0xd2: {  	v6 =	vmul.f32 v6, v7;
	_ =	sdelay $0x1  }
0xd3: {  	v7 =	vmul.f32 v8, v5;
	v8 =	vmul.f32 v9, v6;
	_ =	sdelay $0x1  }
0xd4: {  	v7 =	vadd.f32 v8, v7;
	_ =	sdelay $0x1  }
0xd5: {  	[tilespmem:s20+$0xFFFFFFF0] =	vst v7  }
0xd6: {  	v7 =	vld [tilespmem:s15+$0x138D0]  }
0xd7: {  	v8 =	vld [tilespmem:s15+$0x17C90];
	_ =	sdelay $0x4  }
0xd8: {  	v7 =	vmul.f32 v7, v5;
	v8 =	vmul.f32 v8, v6  }
.Ltmp5:
0xd9: {  	(pc) =	sbr.rel @p1 .LBB2_4-.Ltmp5, $3  }
0xda: {  	v7 =	vadd.f32 v8, v7;
	_ =	sdelay $0x1  }
0xdb: {  	[tilespmem:s20+$0x10] =	vst v7  }
0xdc: {  	v7 =	vld [tilespmem:s15+$0x138F0]  }
0xdd: {  	v8 =	vld [tilespmem:s15+$0x17CB0];
	_ =	sdelay $0x4  }
0xde: {  	v5 =	vmul.f32 v7, v5;
	v6 =	vmul.f32 v8, v6;
	_ =	sdelay $0x1  }
0xdf: {  	v5 =	vadd.f32 v6, v5;
	_ =	sdelay $0x1  }
.Ltmp6:
0xe0: {  	[tilespmem:s7+$0x30] =	vst v5;
	(pc) =	sbr.rel .LBB2_6-.Ltmp6, $4  }
0xe1: {  	[spmem:s2] =	stream.indirect.scatter.add.f32 [tilespmem:s13], [sflag:$0x1], $0x80, s11, s10, $0xb8;
	[tilespmem:$0x1DA80] =	vst v63  }
0xe2: {  	_ =	swait.ge [sflag:s21], $0x2000  }
0xe3: {  	[sflag:s21] =	ssyncset.done $0x0  }
0xe4: {  	[sflag:s21] =	ssyncadd.s32 $0xFFFFE000  }
.LBB2_7:
0xe5: {  	[bflag:$0x0] =	sbarrier.arrive $0xFFFF  }
0xe6: {  	s7 =	rddreg [dreg:$0x8]  }
0xe7: {  	s14 =	rddreg [dreg:$0xf]  }
0xe8: {  	[hbm:s7], [sflag:s9] =	dma.local [spmem:s14], $0x2700  }
0xe9: {  	_ =	swait.ge [sflag:s21], $0x2700  }
0xea: {  	[sflag:s21] =	ssyncset.done $0x0  }
0xeb: {  	[sflag:s21] =	ssyncadd.s32 $0xFFFFD900  }
0xec: {  	[bflag:$0x0] =	sbarrier.arrive @p0 $0xFFFF  }
0xed: {  	s14 =	rddreg [dreg:$0x4]  }
0xee: {  	s15 =	rddreg [dreg:$0xa];
	s7 =	sshrl.u32 @p0 s14, $0x3  }
0xef: {  	[spmem:s7], [sflag:s9] =	dma.local @p0 [hbm:s15], $0x2700  }
0xf0: {  	s7 =	simm.s32 @p0 $0x1  }
0xf1: {  	_ =	swait.ge @p0 [sflag:s7], $0x2700  }
0xf2: {  	[sflag:s7] =	ssyncset.done @p0 $0x0;
	s16 =	rddreg [dreg:$0x10]  }
0xf3: {  	[sflag:s7] =	ssyncadd.s32 @p0 $0xFFFFD900;
	s7 =	rddreg [dreg:$0x9]  }
0xf4: {  	[hbm:s7], [sflag:s9] =	dma.local @!p0 [spmem:s16], $0x100  }
0xf5: {  	s7 =	simm.s32 @!p0 $0x1  }
0xf6: {  	_ =	swait.ge @!p0 [sflag:s7], $0x100  }
0xf7: {  	[sflag:s7] =	ssyncset.done @!p0 $0x0  }
0xf8: {  	[sflag:s7] =	ssyncadd.s32 @!p0 $0xFFFFFF00  }
0xf9: {  	s14 =	sshrl.u32 @!p0 s14, $0x3;
	[bflag:$0x0] =	sbarrier.arrive @!p0 $0xFFFF  }
0xfa: {  	[spmem:s14], [sflag:s9] =	dma.local @!p0 [hbm:s15], $0x2700  }
0xfb: {  	_ =	swait.ge @!p0 [sflag:s7], $0x2700  }
0xfc: {  	[sflag:s7] =	ssyncset.done @!p0 $0x0  }
0xfd: {  	s14 =	rddreg [dreg:$0xb];
	[sflag:s7] =	ssyncadd.s32 @!p0 $0xFFFFD900  }
0xfe: {  	[spmem:s16], [sflag:s9] =	dma.local @!p0 [hbm:s14], $0x100  }
.Ltmp7:
0xff: {  	_ =	swait.ge @!p0 [sflag:s7], $0x100;
	(pc) =	sbr.rel .LBB2_8-.Ltmp7, $4  }
0x100: {  	[sflag:s7] =	ssyncset.done @!p0 $0x0  }
0x101: {  	[sflag:s7] =	ssyncadd.s32 @!p0 $0xFFFFFF00  }
0x102: {  	[bflag:$0x0] =	sbarrier.arrive $0xFFFF  }
0x103: {  	s18 =	simm.s32 $0x0  }
.LBB2_12:
0x104: {  	s18 =	sadd.s32 $0x1, s18  }
0x105: {  	p1 =	sne.s32 s18, $0x139  }
.Ltmp8:
0x106: {  	_ = 	snop;
	(pc) =	sbr.rel @!p1 .LBB2_13-.Ltmp8, $1  }
0x107: {  	_ =	sdelay $0x3  }
.LBB2_8:
0x108: {  	s7 =	sshll.u32 s18, $0x4  }
0x109: {  	s7 =	sor.u32 s4, s7  }
0x10a: {  	p1 =	sgt.u32 s7, $0x1387  }
.Ltmp9:
0x10b: {  	_ = 	snop;
	(pc) =	sbr.rel @p1 .LBB2_12-.Ltmp9, $1  }
0x10c: {  	_ =	sdelay $0x3  }
0x10d: {  	s14 =	sshll.u32 s7, $0x5  }
0x10e: {  	s19 =	simm.s32 $0x0;
	s15 =	sshll.u32 s7, $0xE;
	s14 =	sadd.s32 s1, s14  }
0x10f: {  	[tilespmem:s22], [sflag:$0x2] =	stream.linear.gather [hbm4b:s14+s19], $0x100, $0x38;
	[tilespmem:$0x1DA80] =	vst v63  }
0x110: {  	s7 =	sadd.s32 s17, s15;
	_ =	swait.ge [sflag:s23], $0x100  }
0x111: {  	s7 =	sshrl.u32 s7, $0x3;
	[sflag:s23] =	ssyncset.done $0x0  }
0x112: {  	s7 =	sadd.s32 s5, s7;
	[sflag:s23] =	ssyncadd.s32 $0xFFFFFF00  }
0x113: {  	[tilespmem:s24], [sflag:$0x2] =	stream.linear.gather [hbm4b:s7+s19], $0x4000, $0x38;
	[tilespmem:$0x1DA80] =	vst v63  }
0x114: {  	_ =	swait.ge [sflag:s23], $0x4000  }
0x115: {  	[sflag:s23] =	ssyncset.done $0x0  }
0x116: {  	[sflag:s23] =	ssyncadd.s32 $0xFFFFC000  }
0x117: {  	v5 =	vld [tilespmem:$0x1D900];
	_ =	sdelay $0x4  }
0x118: {  	v5 =	vadd.s32 v1, v5  }
0x119: {  	[tilespmem:$0x1DA00] =	vst v5  }
0x11a: {  	v5 =	vld [tilespmem:$0x1DA00];
	_ =	sdelay $0x1  }
0x11b: {  	v6 =	vld [tilespmem:$0x1D880]  }
0x11c: {  	v7 =	vld [tilespmem:$0x1D890]  }
0x11d: {  	v8 =	vld [tilespmem:$0x1D910]  }
0x11e: {  	v9 =	vld [tilespmem:$0x1D8A0];
	v10 =	vshll.u32 v5, $0x1  }
0x11f: {  	v11 =	vld [tilespmem:$0x1D920];
	v5 =	vand.u32 $0x7, v5;
	v10 =	vand.u32 $0xFFFFFFF0, v10  }
0x120: {  	v12 =	vld [tilespmem:$0x1D8B0];
	v5 =	vor.u32 v5, v10  }
0x121: {  	[tilespmem:$0x1D980] =	vst v6;
	v6 =	vld [tilespmem:$0x1D930];
	v10 =	vperm.xlane v5, v2  }
0x122: {  	[tilespmem:$0x1D990] =	vst v7;
	v7 =	vadd.s32 v1, v8  }
0x123: {  	[tilespmem:$0x1DA10] =	vst v7;
	v5 =	vperm.xlane v5, v4;
	v7 =	vadd.s32 v3, v10  }
0x124: {  	[tilespmem:$0x1D9A0] =	vst v9  }
0x125: {  	v8 =	vadd.s32 v1, v11;
	[tilespmem:$0x1D9B0] =	vst v12;
	v5 =	vadd.s32 v3, v5  }
0x126: {  	[tilespmem:$0x1DA20] =	vst v8;
	v6 =	vadd.s32 v1, v6  }
0x127: {  	[tilespmem:$0x1DA30] =	vst v6  }
0x128: {  	[tilespmem:s25], [sflag:$0x2] =	stream.indirect_vreg.gather [hbm4b:s6+s19], $0x80, v7, vm0, $0xb8;
	[tilespmem:$0x1DA80] =	vst v63  }
0x129: {  	_ = 	snop  }
0x12a: {  	[tilespmem:s26], [sflag:$0x2] =	stream.indirect_vreg.gather [hbm4b:s6+s19], $0x80, v5, vm0, $0xb8;
	[tilespmem:$0x1DA80] =	vst v63  }
0x12b: {  	v5 =	vld [tilespmem:$0x1DA10];
	_ =	sdelay $0x4  }
0x12c: {  	v6 =	vshll.u32 v5, $0x1  }
0x12d: {  	v5 =	vand.u32 $0x7, v5;
	v6 =	vand.u32 $0xFFFFFFF0, v6  }
0x12e: {  	v5 =	vor.u32 v5, v6  }
0x12f: {  	v6 =	vperm.xlane v5, v2;
	_ =	sdelay $0x1  }
0x130: {  	v5 =	vperm.xlane v5, v4;
	v6 =	vadd.s32 v3, v6;
	_ =	sdelay $0x1  }
0x131: {  	v5 =	vadd.s32 v3, v5;
	_ =	sdelay $0x2  }
0x132: {  	[tilespmem:s28], [sflag:$0x2] =	stream.indirect_vreg.gather [hbm4b:s6+s19], $0x80, v6, vm0, $0xb8;
	[tilespmem:$0x1DA80] =	vst v63  }
0x133: {  	_ = 	snop  }
0x134: {  	[tilespmem:s29], [sflag:$0x2] =	stream.indirect_vreg.gather [hbm4b:s6+s19], $0x80, v5, vm0, $0xb8;
	[tilespmem:$0x1DA80] =	vst v63  }
0x135: {  	v5 =	vld [tilespmem:$0x1DA20];
	_ =	sdelay $0x4  }
0x136: {  	v6 =	vshll.u32 v5, $0x1  }
0x137: {  	v5 =	vand.u32 $0x7, v5;
	v6 =	vand.u32 $0xFFFFFFF0, v6  }
0x138: {  	v5 =	vor.u32 v5, v6  }
0x139: {  	v6 =	vperm.xlane v5, v2;
	_ =	sdelay $0x1  }
0x13a: {  	v5 =	vperm.xlane v5, v4;
	v6 =	vadd.s32 v3, v6;
	_ =	sdelay $0x1  }
0x13b: {  	v5 =	vadd.s32 v3, v5;
	_ =	sdelay $0x2  }
0x13c: {  	[tilespmem:s30], [sflag:$0x2] =	stream.indirect_vreg.gather [hbm4b:s6+s19], $0x80, v6, vm0, $0xb8;
	[tilespmem:$0x1DA80] =	vst v63  }
0x13d: {  	_ = 	snop  }
0x13e: {  	[tilespmem:s31], [sflag:$0x2] =	stream.indirect_vreg.gather [hbm4b:s6+s19], $0x80, v5, vm0, $0xb8;
	[tilespmem:$0x1DA80] =	vst v63  }
0x13f: {  	v5 =	vld [tilespmem:$0x1DA30];
	_ =	sdelay $0x4  }
0x140: {  	v6 =	vshll.u32 v5, $0x1  }
0x141: {  	v5 =	vand.u32 $0x7, v5;
	v6 =	vand.u32 $0xFFFFFFF0, v6  }
0x142: {  	v5 =	vor.u32 v5, v6  }
0x143: {  	v6 =	vperm.xlane v5, v2;
	_ =	sdelay $0x1  }
0x144: {  	v5 =	vperm.xlane v5, v4;
	v6 =	vadd.s32 v3, v6;
	_ =	sdelay $0x1  }
0x145: {  	v5 =	vadd.s32 v3, v5;
	_ =	sdelay $0x2  }
0x146: {  	[tilespmem:s0], [sflag:$0x2] =	stream.indirect_vreg.gather [hbm4b:s6+s19], $0x80, v6, vm0, $0xb8;
	[tilespmem:$0x1DA80] =	vst v63  }
0x147: {  	_ = 	snop  }
0x148: {  	[tilespmem:s8], [sflag:$0x2] =	stream.indirect_vreg.gather [hbm4b:s6+s19], $0x80, v5, vm0, $0xb8;
	[tilespmem:$0x1DA80] =	vst v63  }
0x149: {  	_ =	swait.ge [sflag:s23], $0x4000  }
0x14a: {  	s16 =	sand.u32 $0x3800, s19;
	s20 =	sand.u32 $0x380, s19;
	[sflag:s23] =	ssyncset.done $0x0  }
0x14b: {  	s15 =	sor.u32 s20, s16;
	[sflag:s23] =	ssyncadd.s32 $0xFFFFC000  }
0x14c: {  	v5 =	vld [tilespmem:s15+$0x13880]  }
0x14d: {  	v6 =	vld [tilespmem:s15+$0x17880];
	_ =	sdelay $0x4  }
0x14e: {  	v5 =	vmul.f32 v5, v6  }
0x14f: {  	s20 =	simm.s32 $0x1B8C0;
	v7 =	vld [tilespmem:s15+$0x178C0]  }
0x150: {  	v6 =	vld [tilespmem:s15+$0x178A0];
	[tilespmem:s20+$0xFFFFFFC0] =	vst v5  }
0x151: {  	v5 =	vld [tilespmem:s15+$0x13C80]  }
0x152: {  	v8 =	vld [tilespmem:s15+$0x178E0]  }
0x153: {  	v62 =	vld [tilespmem:s15+$0x138A0];
	_ =	sdelay $0x2  }
0x154: {  	v5 =	vmul.f32 v5, v7;
	_ =	sdelay $0x1  }
0x155: {  	v7 =	vmul.f32 v62, v6;
	v8 =	vmul.f32 v8, v5;
	_ =	sdelay $0x1  }
0x156: {  	v7 =	vadd.f32 v8, v7;
	_ =	sdelay $0x1  }
0x157: {  	[tilespmem:s20+$0xFFFFFFE0] =	vst v7  }
0x158: {  	v7 =	vld [tilespmem:s15+$0x138C0]  }
0x159: {  	v8 =	vld [tilespmem:s15+$0x17C80];
	_ =	sdelay $0x4  }
0x15a: {  	v7 =	vmul.f32 v7, v6;
	v8 =	vmul.f32 v8, v5;
	_ =	sdelay $0x1  }
0x15b: {  	v7 =	vadd.f32 v8, v7;
	_ =	sdelay $0x1  }
0x15c: {  	[tilespmem:s20+$0x0] =	vst v7  }
0x15d: {  	v7 =	vld [tilespmem:s15+$0x138E0]  }
0x15e: {  	v8 =	vld [tilespmem:s15+$0x17CA0];
	_ =	sdelay $0x4  }
0x15f: {  	v6 =	vmul.f32 v7, v6;
	v5 =	vmul.f32 v8, v5;
	_ =	sdelay $0x1  }
0x160: {  	v5 =	vadd.f32 v5, v6;
	_ =	sdelay $0x1  }
0x161: {  	[tilespmem:s20+$0x20] =	vst v5  }
0x162: {  	v5 =	vld [tilespmem:s15+$0x17890]  }
0x163: {  	v6 =	vld [tilespmem:s15+$0x13890];
	_ =	sdelay $0x4  }
0x164: {  	v6 =	vmul.f32 v6, v5  }
0x165: {  	v7 =	vld [tilespmem:s15+$0x178D0]  }
0x166: {  	v5 =	vld [tilespmem:s15+$0x178B0];
	[tilespmem:s20+$0xFFFFFFD0] =	vst v6  }
0x167: {  	v6 =	vld [tilespmem:s15+$0x13C90]  }
0x168: {  	v8 =	vld [tilespmem:s15+$0x138B0]  }
0x169: {  	v63 =	vld [tilespmem:s15+$0x178F0];
	_ =	sdelay $0x2  }
0x16a: {  	v6 =	vmul.f32 v6, v7;
	_ =	sdelay $0x1  }
0x16b: {  	v7 =	vmul.f32 v8, v5;
	v8 =	vmul.f32 v63, v6;
	_ =	sdelay $0x1  }
0x16c: {  	v7 =	vadd.f32 v8, v7;
	_ =	sdelay $0x1  }
0x16d: {  	[tilespmem:s20+$0xFFFFFFF0] =	vst v7  }
0x16e: {  	v7 =	vld [tilespmem:s15+$0x138D0]  }
0x16f: {  	v8 =	vld [tilespmem:s15+$0x17C90];
	_ =	sdelay $0x4  }
0x170: {  	v7 =	vmul.f32 v7, v5;
	v8 =	vmul.f32 v8, v6;
	_ =	sdelay $0x1  }
0x171: {  	v7 =	vadd.f32 v8, v7;
	_ =	sdelay $0x1  }
0x172: {  	[tilespmem:s20+$0x10] =	vst v7  }
0x173: {  	s14 =	simm.s32 $0x100;
	s7 =	simm.s32 $0x1B8C0;
	v7 =	vld [tilespmem:s15+$0x138F0]  }
.LBB2_10:
0x174: {  	p1 =	sne.s32 s14, $0x3F00;
	v8 =	vld [tilespmem:s15+$0x17CB0];
	s19 =	sadd.s32 $0x80, s19;
	s20 =	sadd.s32 $0x80, s20  }
0x175: {  	s15 =	smov.u32 s14;
	s14 =	sadd.s32 $0x100, s14;
	_ =	sdelay $0x2  }
0x176: {  	v5 =	vmul.f32 v7, v5  }
0x177: {  	s15 =	sand.u32 $0x3800, s15;
	s16 =	sand.u32 $0x380, s19;
	v6 =	vmul.f32 v8, v6  }
0x178: {  	s15 =	sor.u32 s16, s15  }
0x179: {  	v5 =	vadd.f32 v6, v5;
	_ =	sdelay $0x1  }
0x17a: {  	[tilespmem:s7+$0x30] =	vst v5;
	s7 =	smov.u32 s20  }
0x17b: {  	v5 =	vld [tilespmem:s15+$0x13880]  }
0x17c: {  	v6 =	vld [tilespmem:s15+$0x17880];
	_ =	sdelay $0x4  }
0x17d: {  	v7 =	vld [tilespmem:s15+$0x178C0];
	v5 =	vmul.f32 v5, v6  }
0x17e: {  	v6 =	vld [tilespmem:s15+$0x178A0]  }
0x17f: {  	[tilespmem:s20+$0xFFFFFFC0] =	vst v5  }
0x180: {  	v5 =	vld [tilespmem:s15+$0x13C80]  }
0x181: {  	v8 =	vld [tilespmem:s15+$0x178E0]  }
0x182: {  	v9 =	vld [tilespmem:s15+$0x138A0];
	_ =	sdelay $0x2  }
0x183: {  	v5 =	vmul.f32 v5, v7;
	_ =	sdelay $0x1  }
0x184: {  	v7 =	vmul.f32 v9, v6;
	v8 =	vmul.f32 v8, v5;
	_ =	sdelay $0x1  }
0x185: {  	v7 =	vadd.f32 v8, v7;
	_ =	sdelay $0x1  }
0x186: {  	[tilespmem:s20+$0xFFFFFFE0] =	vst v7  }
0x187: {  	v7 =	vld [tilespmem:s15+$0x138C0]  }
0x188: {  	v8 =	vld [tilespmem:s15+$0x17C80];
	_ =	sdelay $0x3  }
0x189: {  	v7 =	vmul.f32 v7, v6  }
0x18a: {  	v8 =	vmul.f32 v8, v5;
	_ =	sdelay $0x1  }
0x18b: {  	v7 =	vadd.f32 v8, v7;
	_ =	sdelay $0x1  }
0x18c: {  	[tilespmem:s20+$0x0] =	vst v7  }
0x18d: {  	v7 =	vld [tilespmem:s15+$0x138E0]  }
0x18e: {  	v8 =	vld [tilespmem:s15+$0x17CA0];
	_ =	sdelay $0x3  }
0x18f: {  	v6 =	vmul.f32 v7, v6  }
0x190: {  	v5 =	vmul.f32 v8, v5;
	_ =	sdelay $0x1  }
0x191: {  	v5 =	vadd.f32 v5, v6;
	_ =	sdelay $0x1  }
0x192: {  	[tilespmem:s20+$0x20] =	vst v5  }
0x193: {  	v5 =	vld [tilespmem:s15+$0x17890]  }
0x194: {  	v6 =	vld [tilespmem:s15+$0x13890];
	_ =	sdelay $0x4  }
0x195: {  	v7 =	vld [tilespmem:s15+$0x178D0];
	v6 =	vmul.f32 v6, v5  }
0x196: {  	v5 =	vld [tilespmem:s15+$0x178B0]  }
0x197: {  	[tilespmem:s20+$0xFFFFFFD0] =	vst v6  }
0x198: {  	v6 =	vld [tilespmem:s15+$0x13C90]  }
0x199: {  	v8 =	vld [tilespmem:s15+$0x138B0]  }
0x19a: {  	v9 =	vld [tilespmem:s15+$0x178F0];
	_ =	sdelay $0x2  }
0x19b: {  	v6 =	vmul.f32 v6, v7;
	_ =	sdelay $0x1  }
0x19c: {  	v7 =	vmul.f32 v8, v5;
	v8 =	vmul.f32 v9, v6;
	_ =	sdelay $0x1  }
0x19d: {  	v7 =	vadd.f32 v8, v7;
	_ =	sdelay $0x1  }
0x19e: {  	[tilespmem:s20+$0xFFFFFFF0] =	vst v7  }
0x19f: {  	v7 =	vld [tilespmem:s15+$0x138D0]  }
0x1a0: {  	v8 =	vld [tilespmem:s15+$0x17C90];
	_ =	sdelay $0x4  }
0x1a1: {  	v7 =	vmul.f32 v7, v5;
	v8 =	vmul.f32 v8, v6  }
.Ltmp10:
0x1a2: {  	(pc) =	sbr.rel @p1 .LBB2_10-.Ltmp10, $3  }
0x1a3: {  	v7 =	vadd.f32 v8, v7;
	_ =	sdelay $0x1  }
0x1a4: {  	[tilespmem:s20+$0x10] =	vst v7  }
0x1a5: {  	v7 =	vld [tilespmem:s15+$0x138F0]  }
0x1a6: {  	v8 =	vld [tilespmem:s15+$0x17CB0];
	_ =	sdelay $0x4  }
0x1a7: {  	v5 =	vmul.f32 v7, v5;
	v6 =	vmul.f32 v8, v6;
	_ =	sdelay $0x1  }
0x1a8: {  	v5 =	vadd.f32 v6, v5;
	_ =	sdelay $0x1  }
.Ltmp11:
0x1a9: {  	[tilespmem:s7+$0x30] =	vst v5;
	(pc) =	sbr.rel .LBB2_12-.Ltmp11, $4  }
0x1aa: {  	[spmem:s2] =	stream.indirect.scatter.add.f32 [tilespmem:s13], [sflag:$0x1], $0x80, s11, s10, $0xb8;
	[tilespmem:$0x1DA80] =	vst v63  }
0x1ab: {  	_ =	swait.ge [sflag:s21], $0x2000  }
0x1ac: {  	[sflag:s21] =	ssyncset.done $0x0  }
0x1ad: {  	[sflag:s21] =	ssyncadd.s32 $0xFFFFE000  }
.LBB2_14:
0x1ae: {  	_ =	sfence.sel $0x180000  }
0x1af: {  	[bflag:$0x0] =	sbarrier.arrive $0xFFFF  }
0x1b0: {  	_ =	strace $0x90000047  }
0x1b1: {  	[bflag:$0x2] =	sbarrier.arrive $0xFFFF  }
0x1b2: {  	p0 =	sne.s32 s4, $0x0;
	s0 =	rddreg [dreg:$0x3]  }
0x1b3: {  	s0 =	sadd.s32 @!p0 $0x100000, s0  }
0x1b4: {  	[sflag:s0] =	ssyncadd.tile.s32 @!p0 $0x1;
	_ =	shalt  }
.Lfunc_end2:
_tile_overlayer_lowered:
.L_overlay_start_2:
0x1b5: {  	(tag) =	ssettag $0x2  }
0x1b6: {  	s0 =	rddreg [dreg:$0x0];
	s2 =	stileid.u32  }
0x1b7: {  	s1 =	rddreg [dreg:$0x1];
	p0 =	sne.s32 s2, $0x0  }
0x1b8: {  	s3 =	rddreg [dreg:$0x2];
	[bflag:$0x3] =	sbarrier.arrive $0xFFFF;
	s2 =	simm.s32 @!p0 $0x1C01  }
0x1b9: {  	[timem:s3], [sflag:s2] =	dma.local @!p0 [hbm:s0], s1  }
0x1ba: {  	s0 =	simm.s32 @!p0 $0x1  }
0x1bb: {  	_ =	swait.ge @!p0 [sflag:s0], s1  }
0x1bc: {  	s1 =	ssub.s32 @!p0 $0x0, s1;
	[sflag:s0] =	ssyncset.done @!p0 $0x0  }
0x1bd: {  	[sflag:s0] =	ssyncadd.s32 @!p0 s1  }
0x1be: {  	[bflag:$0x3] =	sbarrier.arrive $0xFFFF  }
0x1bf: {  	_ =	shalt  }

</sc_bundles>
